<compile_context>
chip_gen: v7x
topology: tpu7x:2x2x1
jax: 0.10.2.dev20260603
libtpu: 0.0.44.dev20260713+nightly
codegen_flags: <defaults>
</compile_context>

<pallas_src>
import functools

import jax
import jax.numpy as jnp
from jax import lax
from jax.experimental import pallas as pl
from jax.experimental.pallas import tpu as pltpu
from jax.experimental.pallas import tpu_sc as plsc

B, S, D, V = 4096, 50, 300, 100000
DP = 384
NC, NS = 2, 16
NW = NC * NS
N = B * S
CHUNK = 128
NSL = 2
N_SL = N // NSL
PER_W = N_SL // NW
NCHUNK = PER_W // CHUNK

_mesh = plsc.VectorSubcoreMesh(core_axis_name="c", subcore_axis_name="s")


@functools.partial(
    pl.kernel,
    mesh=_mesh,
    out_type=jax.ShapeDtypeStruct((N_SL, DP), jnp.float32),
    scratch_types=[
        pltpu.VMEM((NCHUNK, CHUNK), jnp.int32),
        pltpu.VMEM((CHUNK, DP), jnp.float32),
        pltpu.SemaphoreType.DMA,
    ],
    compiler_params=pltpu.CompilerParams(use_tc_tiling_on_sc=True),
)
def _gather_slice(idx_hbm, table_hbm, out_hbm, idx_v, rows_v, sem):
    wid = lax.axis_index("s") * NC + lax.axis_index("c")
    pltpu.sync_copy(idx_hbm.at[wid], idx_v)
    base = wid * PER_W

    def chunk_body(c, carry):
        pltpu.async_copy(table_hbm.at[idx_v.at[c]], rows_v, sem).wait()
        pltpu.sync_copy(rows_v, out_hbm.at[pl.ds(base + c * CHUNK, CHUNK)])
        return carry

    lax.fori_loop(0, NCHUNK, chunk_body, 0)


_PAD_ROWS = 1024


def _pad_body(in_ref, out_ref):
    out_ref[:, :D] = in_ref[...].T


_pad_tc = pl.pallas_call(
    _pad_body,
    grid=((V + _PAD_ROWS - 1) // _PAD_ROWS,),
    in_specs=[pl.BlockSpec((D, _PAD_ROWS), lambda i: (0, i))],
    out_specs=pl.BlockSpec((_PAD_ROWS, DP), lambda i: (i, 0)),
    out_shape=jax.ShapeDtypeStruct((V, DP), jnp.float32),
)

_KB = 8
_BLOCKS_SL = (B // NSL) // _KB


def _depad_first_body(in_ref, out_ref):
    for k in range(_KB):
        out_ref[k] = in_ref[pl.ds(k * S, S), pl.ds(0, D)]


def _depad_next_body(in_ref, prev_ref, out_ref):
    del prev_ref
    for k in range(_KB):
        out_ref[k] = in_ref[pl.ds(k * S, S), pl.ds(0, D)]


_depad_first = pl.pallas_call(
    _depad_first_body,
    grid=(_BLOCKS_SL,),
    in_specs=[pl.BlockSpec((_KB * S, DP), lambda i: (i, 0))],
    out_specs=pl.BlockSpec((_KB, S, D), lambda i: (i, 0, 0)),
    out_shape=jax.ShapeDtypeStruct((B, S, D), jnp.float32),
)


def _make_depad_next(sl):
    off = sl * _BLOCKS_SL
    return pl.pallas_call(
        _depad_next_body,
        grid=(_BLOCKS_SL,),
        in_specs=[
            pl.BlockSpec((_KB * S, DP), lambda i: (i, 0)),
            pl.BlockSpec(memory_space=pl.ANY),
        ],
        out_specs=pl.BlockSpec((_KB, S, D), lambda i, off=off: (i + off, 0, 0)),
        out_shape=jax.ShapeDtypeStruct((B, S, D), jnp.float32),
        input_output_aliases={1: 0},
    )


_depad_rest = [_make_depad_next(sl) for sl in range(1, NSL)]


def kernel(indices, table):
    idxf = indices.astype(jnp.int32).reshape(-1)
    table_p = _pad_tc(table.T)
    outs = []
    for sl in range(NSL):
        idx_sl = idxf[sl * N_SL:(sl + 1) * N_SL].reshape(NW, NCHUNK, CHUNK)
        outs.append(_gather_slice(idx_sl, table_p))
    final = _depad_first(outs[0])
    for sl in range(1, NSL):
        final = _depad_rest[sl - 1](outs[sl], final)
    return jax.lax.optimization_barrier(final)

# --- scband reference (transcript-rebuilt; emitter-appended) ---
"""Pipeline reference for scband-word-embeddings-73315091742811 (READ-ONLY COPY).

The authoritative reference and input builder live on the scoring server;
editing this copy changes nothing except your own understanding.
"""

import jax, jax.numpy as jnp
import numpy as np

VOCAB = 100000
EMBED_DIM = 300
BATCH = 4096
SEQ = 50

def setup_inputs(seed: int = 0) -> dict:
    key = jax.random.key(seed)
    k_idx, k_tab = jax.random.split(key)
    indices = jax.random.randint(k_idx, (BATCH, SEQ), 0, VOCAB, dtype=jnp.int64 if jax.config.jax_enable_x64 else jnp.int32)
    table = jax.random.normal(k_tab, (VOCAB, EMBED_DIM), dtype=jnp.float32) * 0.1
    return {"indices": indices, "table": table}

def reference(indices, table):
    # WordEmbeddings.forward: look up each token id in the precomputed
    # embedding matrix (gensim vectors copied into a torch embedding table).
    # Faithful translation: a pure row-gather from the table.
    out = jnp.take(table, indices, axis=0)  # [BATCH, SEQ, EMBED_DIM]
    return out

if __name__ == "__main__":
    import jax
    _d = setup_inputs()
    print(jax.jit(kernel)(*tuple(_d.values())))

</pallas_src>

<mosaic_0001>
#map = affine_map<(d0, d1) -> (0, 0, 0)>
#map1 = affine_map<(d0, d1) -> (0, 0)>
module attributes {stable_mosaic.version = 14 : i64} {
  func.func @_gather_slice(%arg0: i32, %arg1: i32, %arg2: memref<32x25x128xi32, #tpu.memory_space<hbm>>, %arg3: memref<100000x384xf32, #tpu.memory_space<hbm>>, %arg4: memref<102400x384xf32, #tpu.memory_space<hbm>>, %arg5: memref<25x128xi32, #tpu.memory_space<vmem>>, %arg6: memref<128x384xf32, #tpu.memory_space<vmem>>, %arg7: memref<!tpu.dma_semaphore, #tpu.memory_space<semaphore_mem>>) attributes {dimension_semantics = [#tpu.dimension_semantics<core_parallel>, #tpu.dimension_semantics<subcore_parallel>], iteration_bounds = array<i64: 2, 16>, scalar_prefetch = 0 : i64, scratch_operands = 3 : i64, tpu.core_type = #tpu.core_type<sc_vector_subcore>, window_params = [{transform_indices = #map}, {transform_indices = #map1}, {transform_indices = #map1}]} {
    %mul3A = arith.constant 2 : i32
    %mul3A_0 = arith.muli %arg1, %mul3A : i32
    %add3A = arith.addi %mul3A_0, %arg0 : i32
    "tpu.region"() ({
      %run_scoped3A = tpu.sem_alloc : memref<!tpu.dma_semaphore, #tpu.memory_space<semaphore_mem>>
      %dma_start3A = arith.constant 0 : i32
      %dma_start3A_8 = arith.constant 0 : i32
      %dma_start3A_9 = tpu.memref_slice %arg2[%add3A, %dma_start3A, %dma_start3A_8] : memref<32x25x128xi32, #tpu.memory_space<hbm>> -> memref<1x25x128xi32, #tpu.memory_space<hbm>>
      %dma_start3A_10 = tpu.memref_squeeze %dma_start3A_9 : memref<1x25x128xi32, #tpu.memory_space<hbm>> -> memref<25x128xi32, #tpu.memory_space<hbm>>
      %dma_start3A_11 = arith.constant 0 : i32
      %dma_start3A_12 = arith.constant 0 : i32
      %dma_start3A_13 = tpu.memref_slice %arg2[%add3A, %dma_start3A_11, %dma_start3A_12] : memref<32x25x128xi32, #tpu.memory_space<hbm>> -> memref<1x25x128xi32, #tpu.memory_space<hbm>>
      %dma_start3A_14 = tpu.memref_squeeze %dma_start3A_13 : memref<1x25x128xi32, #tpu.memory_space<hbm>> -> memref<25x128xi32, #tpu.memory_space<hbm>>
      tpu.enqueue_dma source(%dma_start3A_14 : memref<25x128xi32, #tpu.memory_space<hbm>>) target(%arg5 : memref<25x128xi32, #tpu.memory_space<vmem>>) target_semaphore(%run_scoped3A : memref<!tpu.dma_semaphore, #tpu.memory_space<semaphore_mem>>)
      %dma_wait3A = arith.constant 0 : i32
      %dma_wait3A_15 = arith.constant 0 : i32
      %dma_wait3A_16 = tpu.memref_slice %arg2[%add3A, %dma_wait3A, %dma_wait3A_15] : memref<32x25x128xi32, #tpu.memory_space<hbm>> -> memref<1x25x128xi32, #tpu.memory_space<hbm>>
      %dma_wait3A_17 = tpu.memref_squeeze %dma_wait3A_16 : memref<1x25x128xi32, #tpu.memory_space<hbm>> -> memref<25x128xi32, #tpu.memory_space<hbm>>
      %dma_wait3A_18 = arith.constant 0 : i32
      %dma_wait3A_19 = arith.constant 0 : i32
      %dma_wait3A_20 = tpu.memref_slice %arg2[%add3A, %dma_wait3A_18, %dma_wait3A_19] : memref<32x25x128xi32, #tpu.memory_space<hbm>> -> memref<1x25x128xi32, #tpu.memory_space<hbm>>
      %dma_wait3A_21 = tpu.memref_squeeze %dma_wait3A_20 : memref<1x25x128xi32, #tpu.memory_space<hbm>> -> memref<25x128xi32, #tpu.memory_space<hbm>>
      tpu.wait_dma2 semaphore(%run_scoped3A : memref<!tpu.dma_semaphore, #tpu.memory_space<semaphore_mem>>) src(%dma_wait3A_21 : memref<25x128xi32, #tpu.memory_space<hbm>>) dst(%arg5 : memref<25x128xi32, #tpu.memory_space<vmem>>)
      tpu.yield
    }) : () -> ()
    %mul3A_1 = arith.constant 3200 : i32
    %mul3A_2 = arith.muli %add3A, %mul3A_1 : i32
    %scan3A = arith.constant 0 : i32
    %scan3A_3 = arith.constant 0 : i32
    %scan3A_4 = arith.constant 25 : i32
    %scan3A_5 = arith.addi %scan3A_3, %scan3A_4 : i32
    %scan3A_6 = arith.constant 1 : i32
    scf.for %scan3A_8 = %scan3A_3 to %scan3A_5 step %scan3A_6  : i32 {
      %dma_start3A = arith.constant 0 : i32
      %dma_start3A_9 = tpu.memref_slice %arg5[%scan3A_8, %dma_start3A] : memref<25x128xi32, #tpu.memory_space<vmem>> -> memref<1x128xi32, #tpu.memory_space<vmem>>
      %dma_start3A_10 = tpu.memref_squeeze %dma_start3A_9 : memref<1x128xi32, #tpu.memory_space<vmem>> -> memref<128xi32, #tpu.memory_space<vmem>>
      %dma_start3A_11 = arith.constant 0 : i32
      %dma_start3A_12 = arith.constant 0 : i32
      %dma_start3A_13 = tpu.memref_slice %arg3[%dma_start3A_11, %dma_start3A_12] : memref<100000x384xf32, #tpu.memory_space<hbm>> -> memref<100000x384xf32, #tpu.memory_space<hbm>>
      tpu.enqueue_indirect_dma source(%dma_start3A_13 : memref<100000x384xf32, #tpu.memory_space<hbm>>) target(%arg6 : memref<128x384xf32, #tpu.memory_space<vmem>>) offsets(%dma_start3A_10 : memref<128xi32, #tpu.memory_space<vmem>>) semaphore(%arg7 : memref<!tpu.dma_semaphore, #tpu.memory_space<semaphore_mem>>)
      %dma_wait3A = arith.constant 0 : i32
      %dma_wait3A_14 = tpu.memref_slice %arg5[%scan3A_8, %dma_wait3A] : memref<25x128xi32, #tpu.memory_space<vmem>> -> memref<1x128xi32, #tpu.memory_space<vmem>>
      %dma_wait3A_15 = tpu.memref_squeeze %dma_wait3A_14 : memref<1x128xi32, #tpu.memory_space<vmem>> -> memref<128xi32, #tpu.memory_space<vmem>>
      %dma_wait3A_16 = arith.constant 0 : i32
      %dma_wait3A_17 = arith.constant 0 : i32
      %dma_wait3A_18 = tpu.memref_slice %arg3[%dma_wait3A_16, %dma_wait3A_17] : memref<100000x384xf32, #tpu.memory_space<hbm>> -> memref<100000x384xf32, #tpu.memory_space<hbm>>
      tpu.wait_indirect_dma semaphore(%arg7 : memref<!tpu.dma_semaphore, #tpu.memory_space<semaphore_mem>>) src(%dma_wait3A_18 : memref<100000x384xf32, #tpu.memory_space<hbm>>) dst(%arg6 : memref<128x384xf32, #tpu.memory_space<vmem>>)
      %mul3A_19 = arith.constant 128 : i32
      %mul3A_20 = arith.muli %scan3A_8, %mul3A_19 : i32
      %add3A_21 = arith.addi %mul3A_2, %mul3A_20 : i32
      "tpu.region"() ({
        %run_scoped3A = tpu.sem_alloc : memref<!tpu.dma_semaphore, #tpu.memory_space<semaphore_mem>>
        %dma_start3A_22 = arith.constant 0 : i32
        %dma_start3A_23 = tpu.memref_slice %arg4[%add3A_21, %dma_start3A_22] : memref<102400x384xf32, #tpu.memory_space<hbm>> -> memref<128x384xf32, #tpu.memory_space<hbm>>
        %dma_start3A_24 = arith.constant 0 : i32
        %dma_start3A_25 = tpu.memref_slice %arg4[%add3A_21, %dma_start3A_24] : memref<102400x384xf32, #tpu.memory_space<hbm>> -> memref<128x384xf32, #tpu.memory_space<hbm>>
        tpu.enqueue_dma source(%arg6 : memref<128x384xf32, #tpu.memory_space<vmem>>) target(%dma_start3A_25 : memref<128x384xf32, #tpu.memory_space<hbm>>) target_semaphore(%run_scoped3A : memref<!tpu.dma_semaphore, #tpu.memory_space<semaphore_mem>>)
        %dma_wait3A_26 = arith.constant 0 : i32
        %dma_wait3A_27 = tpu.memref_slice %arg4[%add3A_21, %dma_wait3A_26] : memref<102400x384xf32, #tpu.memory_space<hbm>> -> memref<128x384xf32, #tpu.memory_space<hbm>>
        %dma_wait3A_28 = arith.constant 0 : i32
        %dma_wait3A_29 = tpu.memref_slice %arg4[%add3A_21, %dma_wait3A_28] : memref<102400x384xf32, #tpu.memory_space<hbm>> -> memref<128x384xf32, #tpu.memory_space<hbm>>
        tpu.wait_dma2 semaphore(%run_scoped3A : memref<!tpu.dma_semaphore, #tpu.memory_space<semaphore_mem>>) src(%arg6 : memref<128x384xf32, #tpu.memory_space<vmem>>) dst(%dma_wait3A_29 : memref<128x384xf32, #tpu.memory_space<hbm>>)
        tpu.yield
      }) : () -> ()
    }
    %scan3A_7 = arith.constant 25 : i32
    return
  }
}

#map = affine_map<(d0, d1) -> (0, 0, 0)>
#map1 = affine_map<(d0, d1) -> (0, 0)>
module attributes {stable_mosaic.version = 14 : i64} {
  func.func @_gather_slice(%arg0: i32, %arg1: i32, %arg2: memref<32x25x128xi32, #tpu.memory_space<hbm>>, %arg3: memref<100000x384xf32, #tpu.memory_space<hbm>>, %arg4: memref<102400x384xf32, #tpu.memory_space<hbm>>, %arg5: memref<25x128xi32, #tpu.memory_space<vmem>>, %arg6: memref<128x384xf32, #tpu.memory_space<vmem>>, %arg7: memref<!tpu.dma_semaphore, #tpu.memory_space<semaphore_mem>>) attributes {dimension_semantics = [#tpu.dimension_semantics<core_parallel>, #tpu.dimension_semantics<subcore_parallel>], iteration_bounds = array<i64: 2, 16>, scalar_prefetch = 0 : i64, scratch_operands = 3 : i64, tpu.core_type = #tpu.core_type<sc_vector_subcore>, window_params = [{transform_indices = #map}, {transform_indices = #map1}, {transform_indices = #map1}]} {
    %mul3A = arith.constant 2 : i32
    %mul3A_0 = arith.muli %arg1, %mul3A : i32
    %add3A = arith.addi %mul3A_0, %arg0 : i32
    "tpu.region"() ({
      %run_scoped3A = tpu.sem_alloc : memref<!tpu.dma_semaphore, #tpu.memory_space<semaphore_mem>>
      %dma_start3A = arith.constant 0 : i32
      %dma_start3A_8 = arith.constant 0 : i32
      %dma_start3A_9 = tpu.memref_slice %arg2[%add3A, %dma_start3A, %dma_start3A_8] : memref<32x25x128xi32, #tpu.memory_space<hbm>> -> memref<1x25x128xi32, #tpu.memory_space<hbm>>
      %dma_start3A_10 = tpu.memref_squeeze %dma_start3A_9 : memref<1x25x128xi32, #tpu.memory_space<hbm>> -> memref<25x128xi32, #tpu.memory_space<hbm>>
      %dma_start3A_11 = arith.constant 0 : i32
      %dma_start3A_12 = arith.constant 0 : i32
      %dma_start3A_13 = tpu.memref_slice %arg2[%add3A, %dma_start3A_11, %dma_start3A_12] : memref<32x25x128xi32, #tpu.memory_space<hbm>> -> memref<1x25x128xi32, #tpu.memory_space<hbm>>
      %dma_start3A_14 = tpu.memref_squeeze %dma_start3A_13 : memref<1x25x128xi32, #tpu.memory_space<hbm>> -> memref<25x128xi32, #tpu.memory_space<hbm>>
      tpu.enqueue_dma source(%dma_start3A_14 : memref<25x128xi32, #tpu.memory_space<hbm>>) target(%arg5 : memref<25x128xi32, #tpu.memory_space<vmem>>) target_semaphore(%run_scoped3A : memref<!tpu.dma_semaphore, #tpu.memory_space<semaphore_mem>>)
      %dma_wait3A = arith.constant 0 : i32
      %dma_wait3A_15 = arith.constant 0 : i32
      %dma_wait3A_16 = tpu.memref_slice %arg2[%add3A, %dma_wait3A, %dma_wait3A_15] : memref<32x25x128xi32, #tpu.memory_space<hbm>> -> memref<1x25x128xi32, #tpu.memory_space<hbm>>
      %dma_wait3A_17 = tpu.memref_squeeze %dma_wait3A_16 : memref<1x25x128xi32, #tpu.memory_space<hbm>> -> memref<25x128xi32, #tpu.memory_space<hbm>>
      %dma_wait3A_18 = arith.constant 0 : i32
      %dma_wait3A_19 = arith.constant 0 : i32
      %dma_wait3A_20 = tpu.memref_slice %arg2[%add3A, %dma_wait3A_18, %dma_wait3A_19] : memref<32x25x128xi32, #tpu.memory_space<hbm>> -> memref<1x25x128xi32, #tpu.memory_space<hbm>>
      %dma_wait3A_21 = tpu.memref_squeeze %dma_wait3A_20 : memref<1x25x128xi32, #tpu.memory_space<hbm>> -> memref<25x128xi32, #tpu.memory_space<hbm>>
      tpu.wait_dma2 semaphore(%run_scoped3A : memref<!tpu.dma_semaphore, #tpu.memory_space<semaphore_mem>>) src(%dma_wait3A_21 : memref<25x128xi32, #tpu.memory_space<hbm>>) dst(%arg5 : memref<25x128xi32, #tpu.memory_space<vmem>>)
      tpu.yield
    }) : () -> ()
    %mul3A_1 = arith.constant 3200 : i32
    %mul3A_2 = arith.muli %add3A, %mul3A_1 : i32
    %scan3A = arith.constant 0 : i32
    %scan3A_3 = arith.constant 0 : i32
    %scan3A_4 = arith.constant 25 : i32
    %scan3A_5 = arith.addi %scan3A_3, %scan3A_4 : i32
    %scan3A_6 = arith.constant 1 : i32
    scf.for %scan3A_8 = %scan3A_3 to %scan3A_5 step %scan3A_6  : i32 {
      %dma_start3A = arith.constant 0 : i32
      %dma_start3A_9 = tpu.memref_slice %arg5[%scan3A_8, %dma_start3A] : memref<25x128xi32, #tpu.memory_space<vmem>> -> memref<1x128xi32, #tpu.memory_space<vmem>>
      %dma_start3A_10 = tpu.memref_squeeze %dma_start3A_9 : memref<1x128xi32, #tpu.memory_space<vmem>> -> memref<128xi32, #tpu.memory_space<vmem>>
      %dma_start3A_11 = arith.constant 0 : i32
      %dma_start3A_12 = arith.constant 0 : i32
      %dma_start3A_13 = tpu.memref_slice %arg3[%dma_start3A_11, %dma_start3A_12] : memref<100000x384xf32, #tpu.memory_space<hbm>> -> memref<100000x384xf32, #tpu.memory_space<hbm>>
      tpu.enqueue_indirect_dma source(%dma_start3A_13 : memref<100000x384xf32, #tpu.memory_space<hbm>>) target(%arg6 : memref<128x384xf32, #tpu.memory_space<vmem>>) offsets(%dma_start3A_10 : memref<128xi32, #tpu.memory_space<vmem>>) semaphore(%arg7 : memref<!tpu.dma_semaphore, #tpu.memory_space<semaphore_mem>>)
      %dma_wait3A = arith.constant 0 : i32
      %dma_wait3A_14 = tpu.memref_slice %arg5[%scan3A_8, %dma_wait3A] : memref<25x128xi32, #tpu.memory_space<vmem>> -> memref<1x128xi32, #tpu.memory_space<vmem>>
      %dma_wait3A_15 = tpu.memref_squeeze %dma_wait3A_14 : memref<1x128xi32, #tpu.memory_space<vmem>> -> memref<128xi32, #tpu.memory_space<vmem>>
      %dma_wait3A_16 = arith.constant 0 : i32
      %dma_wait3A_17 = arith.constant 0 : i32
      %dma_wait3A_18 = tpu.memref_slice %arg3[%dma_wait3A_16, %dma_wait3A_17] : memref<100000x384xf32, #tpu.memory_space<hbm>> -> memref<100000x384xf32, #tpu.memory_space<hbm>>
      tpu.wait_indirect_dma semaphore(%arg7 : memref<!tpu.dma_semaphore, #tpu.memory_space<semaphore_mem>>) src(%dma_wait3A_18 : memref<100000x384xf32, #tpu.memory_space<hbm>>) dst(%arg6 : memref<128x384xf32, #tpu.memory_space<vmem>>)
      %mul3A_19 = arith.constant 128 : i32
      %mul3A_20 = arith.muli %scan3A_8, %mul3A_19 : i32
      %add3A_21 = arith.addi %mul3A_2, %mul3A_20 : i32
      "tpu.region"() ({
        %run_scoped3A = tpu.sem_alloc : memref<!tpu.dma_semaphore, #tpu.memory_space<semaphore_mem>>
        %dma_start3A_22 = arith.constant 0 : i32
        %dma_start3A_23 = tpu.memref_slice %arg4[%add3A_21, %dma_start3A_22] : memref<102400x384xf32, #tpu.memory_space<hbm>> -> memref<128x384xf32, #tpu.memory_space<hbm>>
        %dma_start3A_24 = arith.constant 0 : i32
        %dma_start3A_25 = tpu.memref_slice %arg4[%add3A_21, %dma_start3A_24] : memref<102400x384xf32, #tpu.memory_space<hbm>> -> memref<128x384xf32, #tpu.memory_space<hbm>>
        tpu.enqueue_dma source(%arg6 : memref<128x384xf32, #tpu.memory_space<vmem>>) target(%dma_start3A_25 : memref<128x384xf32, #tpu.memory_space<hbm>>) target_semaphore(%run_scoped3A : memref<!tpu.dma_semaphore, #tpu.memory_space<semaphore_mem>>)
        %dma_wait3A_26 = arith.constant 0 : i32
        %dma_wait3A_27 = tpu.memref_slice %arg4[%add3A_21, %dma_wait3A_26] : memref<102400x384xf32, #tpu.memory_space<hbm>> -> memref<128x384xf32, #tpu.memory_space<hbm>>
        %dma_wait3A_28 = arith.constant 0 : i32
        %dma_wait3A_29 = tpu.memref_slice %arg4[%add3A_21, %dma_wait3A_28] : memref<102400x384xf32, #tpu.memory_space<hbm>> -> memref<128x384xf32, #tpu.memory_space<hbm>>
        tpu.wait_dma2 semaphore(%run_scoped3A : memref<!tpu.dma_semaphore, #tpu.memory_space<semaphore_mem>>) src(%arg6 : memref<128x384xf32, #tpu.memory_space<vmem>>) dst(%dma_wait3A_29 : memref<128x384xf32, #tpu.memory_space<hbm>>)
        tpu.yield
      }) : () -> ()
    }
    %scan3A_7 = arith.constant 25 : i32
    return
  }
}

module attributes {stable_mosaic.version = 14 : i64} {
  func.func @_pad_body(%arg0: i32, %arg1: memref<300x1024xf32, #tpu.memory_space<vmem>>, %arg2: memref<1024x384xf32, #tpu.memory_space<vmem>>) attributes {dimension_semantics = [#tpu.dimension_semantics<arbitrary>], iteration_bounds = array<i64: 98>, scalar_prefetch = 0 : i64, scratch_operands = 0 : i64, tpu.core_type = #tpu.core_type<tc>, window_params = [{transform_indices = @transform_0, window_bounds = array<i64: 300, 1024>}, {transform_indices = @transform_1, window_bounds = array<i64: 1024, 384>}]} {
    %get3A = arith.constant 0 : index
    %get3A_0 = arith.constant 0 : index
    %get3A_1 = vector.load %arg1[%get3A, %get3A_0] : memref<300x1024xf32, #tpu.memory_space<vmem>>, vector<300x1024xf32>
    %transpose3A = tpu.transpose %get3A_1, [1, 0] : vector<300x1024xf32> -> vector<1024x300xf32>
    %swap3A = arith.constant 0 : index
    %swap3A_2 = arith.constant 0 : index
    %swap3A_3 = vector.load %arg2[%swap3A, %swap3A_2] : memref<1024x384xf32, #tpu.memory_space<vmem>>, vector<1024x300xf32>
    tpu.vector_store %arg2[%swap3A, %swap3A_2], %transpose3A {strides = array<i32>} : memref<1024x384xf32, #tpu.memory_space<vmem>>, vector<1024x300xf32>,
    return
  }
  func.func @transform_0(%arg0: i32) -> (i32, i32) {
    %c0_i32 = arith.constant 0 : i32
    %c0_i32_0 = arith.constant 0 : i32
    return %c0_i32, %arg0 : i32, i32
  }
  func.func @transform_1(%arg0: i32) -> (i32, i32) {
    %c0_i32 = arith.constant 0 : i32
    %c0_i32_0 = arith.constant 0 : i32
    return %arg0, %c0_i32 : i32, i32
  }
}

module attributes {stable_mosaic.version = 14 : i64} {
  func.func @_depad_first_body(%arg0: i32, %arg1: memref<400x384xf32, #tpu.memory_space<vmem>>, %arg2: memref<8x50x300xf32, #tpu.memory_space<vmem>>) attributes {dimension_semantics = [#tpu.dimension_semantics<arbitrary>], iteration_bounds = array<i64: 256>, scalar_prefetch = 0 : i64, scratch_operands = 0 : i64, tpu.core_type = #tpu.core_type<tc>, window_params = [{transform_indices = @transform_0, window_bounds = array<i64: 400, 384>}, {transform_indices = @transform_1, window_bounds = array<i64: 8, 50, 300>}]} {
    %get3A = arith.constant 0 : index
    %get3A_0 = arith.constant 0 : index
    %get3A_1 = vector.load %arg1[%get3A, %get3A_0] : memref<400x384xf32, #tpu.memory_space<vmem>>, vector<50x300xf32>
    %swap3A = arith.constant 0 : index
    %swap3A_2 = arith.constant 0 : index
    %swap3A_3 = arith.constant 0 : index
    %swap3A_4 = vector.load %arg2[%swap3A, %swap3A_2, %swap3A_3] : memref<8x50x300xf32, #tpu.memory_space<vmem>>, vector<1x50x300xf32>
    %swap3A_5 = vector.shape_cast %swap3A_4 : vector<1x50x300xf32> to vector<50x300xf32>
    %swap3A_6 = vector.shape_cast %get3A_1 : vector<50x300xf32> to vector<1x50x300xf32>
    tpu.vector_store %arg2[%swap3A, %swap3A_2, %swap3A_3], %swap3A_6 {strides = array<i32>} : memref<8x50x300xf32, #tpu.memory_space<vmem>>, vector<1x50x300xf32>,
    %get3A_7 = arith.constant 50 : index
    %get3A_8 = arith.constant 0 : index
    %get3A_9 = vector.load %arg1[%get3A_7, %get3A_8] : memref<400x384xf32, #tpu.memory_space<vmem>>, vector<50x300xf32>
    %swap3A_10 = arith.constant 1 : index
    %swap3A_11 = arith.constant 0 : index
    %swap3A_12 = arith.constant 0 : index
    %swap3A_13 = vector.load %arg2[%swap3A_10, %swap3A_11, %swap3A_12] : memref<8x50x300xf32, #tpu.memory_space<vmem>>, vector<1x50x300xf32>
    %swap3A_14 = vector.shape_cast %swap3A_13 : vector<1x50x300xf32> to vector<50x300xf32>
    %swap3A_15 = vector.shape_cast %get3A_9 : vector<50x300xf32> to vector<1x50x300xf32>
    tpu.vector_store %arg2[%swap3A_10, %swap3A_11, %swap3A_12], %swap3A_15 {strides = array<i32>} : memref<8x50x300xf32, #tpu.memory_space<vmem>>, vector<1x50x300xf32>,
    %get3A_16 = arith.constant 100 : index
    %get3A_17 = arith.constant 0 : index
    %get3A_18 = vector.load %arg1[%get3A_16, %get3A_17] : memref<400x384xf32, #tpu.memory_space<vmem>>, vector<50x300xf32>
    %swap3A_19 = arith.constant 2 : index
    %swap3A_20 = arith.constant 0 : index
    %swap3A_21 = arith.constant 0 : index
    %swap3A_22 = vector.load %arg2[%swap3A_19, %swap3A_20, %swap3A_21] : memref<8x50x300xf32, #tpu.memory_space<vmem>>, vector<1x50x300xf32>
    %swap3A_23 = vector.shape_cast %swap3A_22 : vector<1x50x300xf32> to vector<50x300xf32>
    %swap3A_24 = vector.shape_cast %get3A_18 : vector<50x300xf32> to vector<1x50x300xf32>
    tpu.vector_store %arg2[%swap3A_19, %swap3A_20, %swap3A_21], %swap3A_24 {strides = array<i32>} : memref<8x50x300xf32, #tpu.memory_space<vmem>>, vector<1x50x300xf32>,
    %get3A_25 = arith.constant 150 : index
    %get3A_26 = arith.constant 0 : index
    %get3A_27 = vector.load %arg1[%get3A_25, %get3A_26] : memref<400x384xf32, #tpu.memory_space<vmem>>, vector<50x300xf32>
    %swap3A_28 = arith.constant 3 : index
    %swap3A_29 = arith.constant 0 : index
    %swap3A_30 = arith.constant 0 : index
    %swap3A_31 = vector.load %arg2[%swap3A_28, %swap3A_29, %swap3A_30] : memref<8x50x300xf32, #tpu.memory_space<vmem>>, vector<1x50x300xf32>
    %swap3A_32 = vector.shape_cast %swap3A_31 : vector<1x50x300xf32> to vector<50x300xf32>
    %swap3A_33 = vector.shape_cast %get3A_27 : vector<50x300xf32> to vector<1x50x300xf32>
    tpu.vector_store %arg2[%swap3A_28, %swap3A_29, %swap3A_30], %swap3A_33 {strides = array<i32>} : memref<8x50x300xf32, #tpu.memory_space<vmem>>, vector<1x50x300xf32>,
    %get3A_34 = arith.constant 200 : index
    %get3A_35 = arith.constant 0 : index
    %get3A_36 = vector.load %arg1[%get3A_34, %get3A_35] : memref<400x384xf32, #tpu.memory_space<vmem>>, vector<50x300xf32>
    %swap3A_37 = arith.constant 4 : index
    %swap3A_38 = arith.constant 0 : index
    %swap3A_39 = arith.constant 0 : index
    %swap3A_40 = vector.load %arg2[%swap3A_37, %swap3A_38, %swap3A_39] : memref<8x50x300xf32, #tpu.memory_space<vmem>>, vector<1x50x300xf32>
    %swap3A_41 = vector.shape_cast %swap3A_40 : vector<1x50x300xf32> to vector<50x300xf32>
    %swap3A_42 = vector.shape_cast %get3A_36 : vector<50x300xf32> to vector<1x50x300xf32>
    tpu.vector_store %arg2[%swap3A_37, %swap3A_38, %swap3A_39], %swap3A_42 {strides = array<i32>} : memref<8x50x300xf32, #tpu.memory_space<vmem>>, vector<1x50x300xf32>,
    %get3A_43 = arith.constant 250 : index
    %get3A_44 = arith.constant 0 : index
    %get3A_45 = vector.load %arg1[%get3A_43, %get3A_44] : memref<400x384xf32, #tpu.memory_space<vmem>>, vector<50x300xf32>
    %swap3A_46 = arith.constant 5 : index
    %swap3A_47 = arith.constant 0 : index
    %swap3A_48 = arith.constant 0 : index
    %swap3A_49 = vector.load %arg2[%swap3A_46, %swap3A_47, %swap3A_48] : memref<8x50x300xf32, #tpu.memory_space<vmem>>, vector<1x50x300xf32>
    %swap3A_50 = vector.shape_cast %swap3A_49 : vector<1x50x300xf32> to vector<50x300xf32>
    %swap3A_51 = vector.shape_cast %get3A_45 : vector<50x300xf32> to vector<1x50x300xf32>
    tpu.vector_store %arg2[%swap3A_46, %swap3A_47, %swap3A_48], %swap3A_51 {strides = array<i32>} : memref<8x50x300xf32, #tpu.memory_space<vmem>>, vector<1x50x300xf32>,
    %get3A_52 = arith.constant 300 : index
    %get3A_53 = arith.constant 0 : index
    %get3A_54 = vector.load %arg1[%get3A_52, %get3A_53] : memref<400x384xf32, #tpu.memory_space<vmem>>, vector<50x300xf32>
    %swap3A_55 = arith.constant 6 : index
    %swap3A_56 = arith.constant 0 : index
    %swap3A_57 = arith.constant 0 : index
    %swap3A_58 = vector.load %arg2[%swap3A_55, %swap3A_56, %swap3A_57] : memref<8x50x300xf32, #tpu.memory_space<vmem>>, vector<1x50x300xf32>
    %swap3A_59 = vector.shape_cast %swap3A_58 : vector<1x50x300xf32> to vector<50x300xf32>
    %swap3A_60 = vector.shape_cast %get3A_54 : vector<50x300xf32> to vector<1x50x300xf32>
    tpu.vector_store %arg2[%swap3A_55, %swap3A_56, %swap3A_57], %swap3A_60 {strides = array<i32>} : memref<8x50x300xf32, #tpu.memory_space<vmem>>, vector<1x50x300xf32>,
    %get3A_61 = arith.constant 350 : index
    %get3A_62 = arith.constant 0 : index
    %get3A_63 = vector.load %arg1[%get3A_61, %get3A_62] : memref<400x384xf32, #tpu.memory_space<vmem>>, vector<50x300xf32>
    %swap3A_64 = arith.constant 7 : index
    %swap3A_65 = arith.constant 0 : index
    %swap3A_66 = arith.constant 0 : index
    %swap3A_67 = vector.load %arg2[%swap3A_64, %swap3A_65, %swap3A_66] : memref<8x50x300xf32, #tpu.memory_space<vmem>>, vector<1x50x300xf32>
    %swap3A_68 = vector.shape_cast %swap3A_67 : vector<1x50x300xf32> to vector<50x300xf32>
    %swap3A_69 = vector.shape_cast %get3A_63 : vector<50x300xf32> to vector<1x50x300xf32>
    tpu.vector_store %arg2[%swap3A_64, %swap3A_65, %swap3A_66], %swap3A_69 {strides = array<i32>} : memref<8x50x300xf32, #tpu.memory_space<vmem>>, vector<1x50x300xf32>,
    return
  }
  func.func @transform_0(%arg0: i32) -> (i32, i32) {
    %c0_i32 = arith.constant 0 : i32
    %c0_i32_0 = arith.constant 0 : i32
    return %arg0, %c0_i32 : i32, i32
  }
  func.func @transform_1(%arg0: i32) -> (i32, i32, i32) {
    %c0_i32 = arith.constant 0 : i32
    %c0_i32_0 = arith.constant 0 : i32
    %c0_i32_1 = arith.constant 0 : i32
    return %arg0, %c0_i32, %c0_i32_0 : i32, i32, i32
  }
}

module attributes {stable_mosaic.version = 14 : i64} {
  func.func @_depad_next_body(%arg0: i32, %arg1: memref<400x384xf32, #tpu.memory_space<vmem>>, %arg2: memref<4096x50x300xf32, #tpu.memory_space<any>>, %arg3: memref<8x50x300xf32, #tpu.memory_space<vmem>>) attributes {dimension_semantics = [#tpu.dimension_semantics<arbitrary>], iteration_bounds = array<i64: 256>, scalar_prefetch = 0 : i64, scratch_operands = 0 : i64, tpu.core_type = #tpu.core_type<tc>, window_params = [{transform_indices = @transform_0, window_bounds = array<i64: 400, 384>}, {}, {transform_indices = @transform_2, window_bounds = array<i64: 8, 50, 300>}]} {
    %get3A = arith.constant 0 : index
    %get3A_0 = arith.constant 0 : index
    %get3A_1 = vector.load %arg1[%get3A, %get3A_0] : memref<400x384xf32, #tpu.memory_space<vmem>>, vector<50x300xf32>
    %swap3A = arith.constant 0 : index
    %swap3A_2 = arith.constant 0 : index
    %swap3A_3 = arith.constant 0 : index
    %swap3A_4 = vector.load %arg3[%swap3A, %swap3A_2, %swap3A_3] : memref<8x50x300xf32, #tpu.memory_space<vmem>>, vector<1x50x300xf32>
    %swap3A_5 = vector.shape_cast %swap3A_4 : vector<1x50x300xf32> to vector<50x300xf32>
    %swap3A_6 = vector.shape_cast %get3A_1 : vector<50x300xf32> to vector<1x50x300xf32>
    tpu.vector_store %arg3[%swap3A, %swap3A_2, %swap3A_3], %swap3A_6 {strides = array<i32>} : memref<8x50x300xf32, #tpu.memory_space<vmem>>, vector<1x50x300xf32>,
    %get3A_7 = arith.constant 50 : index
    %get3A_8 = arith.constant 0 : index
    %get3A_9 = vector.load %arg1[%get3A_7, %get3A_8] : memref<400x384xf32, #tpu.memory_space<vmem>>, vector<50x300xf32>
    %swap3A_10 = arith.constant 1 : index
    %swap3A_11 = arith.constant 0 : index
    %swap3A_12 = arith.constant 0 : index
    %swap3A_13 = vector.load %arg3[%swap3A_10, %swap3A_11, %swap3A_12] : memref<8x50x300xf32, #tpu.memory_space<vmem>>, vector<1x50x300xf32>
    %swap3A_14 = vector.shape_cast %swap3A_13 : vector<1x50x300xf32> to vector<50x300xf32>
    %swap3A_15 = vector.shape_cast %get3A_9 : vector<50x300xf32> to vector<1x50x300xf32>
    tpu.vector_store %arg3[%swap3A_10, %swap3A_11, %swap3A_12], %swap3A_15 {strides = array<i32>} : memref<8x50x300xf32, #tpu.memory_space<vmem>>, vector<1x50x300xf32>,
    %get3A_16 = arith.constant 100 : index
    %get3A_17 = arith.constant 0 : index
    %get3A_18 = vector.load %arg1[%get3A_16, %get3A_17] : memref<400x384xf32, #tpu.memory_space<vmem>>, vector<50x300xf32>
    %swap3A_19 = arith.constant 2 : index
    %swap3A_20 = arith.constant 0 : index
    %swap3A_21 = arith.constant 0 : index
    %swap3A_22 = vector.load %arg3[%swap3A_19, %swap3A_20, %swap3A_21] : memref<8x50x300xf32, #tpu.memory_space<vmem>>, vector<1x50x300xf32>
    %swap3A_23 = vector.shape_cast %swap3A_22 : vector<1x50x300xf32> to vector<50x300xf32>
    %swap3A_24 = vector.shape_cast %get3A_18 : vector<50x300xf32> to vector<1x50x300xf32>
    tpu.vector_store %arg3[%swap3A_19, %swap3A_20, %swap3A_21], %swap3A_24 {strides = array<i32>} : memref<8x50x300xf32, #tpu.memory_space<vmem>>, vector<1x50x300xf32>,
    %get3A_25 = arith.constant 150 : index
    %get3A_26 = arith.constant 0 : index
    %get3A_27 = vector.load %arg1[%get3A_25, %get3A_26] : memref<400x384xf32, #tpu.memory_space<vmem>>, vector<50x300xf32>
    %swap3A_28 = arith.constant 3 : index
    %swap3A_29 = arith.constant 0 : index
    %swap3A_30 = arith.constant 0 : index
    %swap3A_31 = vector.load %arg3[%swap3A_28, %swap3A_29, %swap3A_30] : memref<8x50x300xf32, #tpu.memory_space<vmem>>, vector<1x50x300xf32>
    %swap3A_32 = vector.shape_cast %swap3A_31 : vector<1x50x300xf32> to vector<50x300xf32>
    %swap3A_33 = vector.shape_cast %get3A_27 : vector<50x300xf32> to vector<1x50x300xf32>
    tpu.vector_store %arg3[%swap3A_28, %swap3A_29, %swap3A_30], %swap3A_33 {strides = array<i32>} : memref<8x50x300xf32, #tpu.memory_space<vmem>>, vector<1x50x300xf32>,
    %get3A_34 = arith.constant 200 : index
    %get3A_35 = arith.constant 0 : index
    %get3A_36 = vector.load %arg1[%get3A_34, %get3A_35] : memref<400x384xf32, #tpu.memory_space<vmem>>, vector<50x300xf32>
    %swap3A_37 = arith.constant 4 : index
    %swap3A_38 = arith.constant 0 : index
    %swap3A_39 = arith.constant 0 : index
    %swap3A_40 = vector.load %arg3[%swap3A_37, %swap3A_38, %swap3A_39] : memref<8x50x300xf32, #tpu.memory_space<vmem>>, vector<1x50x300xf32>
    %swap3A_41 = vector.shape_cast %swap3A_40 : vector<1x50x300xf32> to vector<50x300xf32>
    %swap3A_42 = vector.shape_cast %get3A_36 : vector<50x300xf32> to vector<1x50x300xf32>
    tpu.vector_store %arg3[%swap3A_37, %swap3A_38, %swap3A_39], %swap3A_42 {strides = array<i32>} : memref<8x50x300xf32, #tpu.memory_space<vmem>>, vector<1x50x300xf32>,
    %get3A_43 = arith.constant 250 : index
    %get3A_44 = arith.constant 0 : index
    %get3A_45 = vector.load %arg1[%get3A_43, %get3A_44] : memref<400x384xf32, #tpu.memory_space<vmem>>, vector<50x300xf32>
    %swap3A_46 = arith.constant 5 : index
    %swap3A_47 = arith.constant 0 : index
    %swap3A_48 = arith.constant 0 : index
    %swap3A_49 = vector.load %arg3[%swap3A_46, %swap3A_47, %swap3A_48] : memref<8x50x300xf32, #tpu.memory_space<vmem>>, vector<1x50x300xf32>
    %swap3A_50 = vector.shape_cast %swap3A_49 : vector<1x50x300xf32> to vector<50x300xf32>
    %swap3A_51 = vector.shape_cast %get3A_45 : vector<50x300xf32> to vector<1x50x300xf32>
    tpu.vector_store %arg3[%swap3A_46, %swap3A_47, %swap3A_48], %swap3A_51 {strides = array<i32>} : memref<8x50x300xf32, #tpu.memory_space<vmem>>, vector<1x50x300xf32>,
    %get3A_52 = arith.constant 300 : index
    %get3A_53 = arith.constant 0 : index
    %get3A_54 = vector.load %arg1[%get3A_52, %get3A_53] : memref<400x384xf32, #tpu.memory_space<vmem>>, vector<50x300xf32>
    %swap3A_55 = arith.constant 6 : index
    %swap3A_56 = arith.constant 0 : index
    %swap3A_57 = arith.constant 0 : index
    %swap3A_58 = vector.load %arg3[%swap3A_55, %swap3A_56, %swap3A_57] : memref<8x50x300xf32, #tpu.memory_space<vmem>>, vector<1x50x300xf32>
    %swap3A_59 = vector.shape_cast %swap3A_58 : vector<1x50x300xf32> to vector<50x300xf32>
    %swap3A_60 = vector.shape_cast %get3A_54 : vector<50x300xf32> to vector<1x50x300xf32>
    tpu.vector_store %arg3[%swap3A_55, %swap3A_56, %swap3A_57], %swap3A_60 {strides = array<i32>} : memref<8x50x300xf32, #tpu.memory_space<vmem>>, vector<1x50x300xf32>,
    %get3A_61 = arith.constant 350 : index
    %get3A_62 = arith.constant 0 : index
    %get3A_63 = vector.load %arg1[%get3A_61, %get3A_62] : memref<400x384xf32, #tpu.memory_space<vmem>>, vector<50x300xf32>
    %swap3A_64 = arith.constant 7 : index
    %swap3A_65 = arith.constant 0 : index
    %swap3A_66 = arith.constant 0 : index
    %swap3A_67 = vector.load %arg3[%swap3A_64, %swap3A_65, %swap3A_66] : memref<8x50x300xf32, #tpu.memory_space<vmem>>, vector<1x50x300xf32>
    %swap3A_68 = vector.shape_cast %swap3A_67 : vector<1x50x300xf32> to vector<50x300xf32>
    %swap3A_69 = vector.shape_cast %get3A_63 : vector<50x300xf32> to vector<1x50x300xf32>
    tpu.vector_store %arg3[%swap3A_64, %swap3A_65, %swap3A_66], %swap3A_69 {strides = array<i32>} : memref<8x50x300xf32, #tpu.memory_space<vmem>>, vector<1x50x300xf32>,
    return
  }
  func.func @transform_0(%arg0: i32) -> (i32, i32) {
    %c0_i32 = arith.constant 0 : i32
    %c0_i32_0 = arith.constant 0 : i32
    return %arg0, %c0_i32 : i32, i32
  }
  func.func @transform_2(%arg0: i32) -> (i32, i32, i32) {
    %add3A = arith.constant 256 : i32
    %add3A_0 = arith.addi %arg0, %add3A : i32
    %c0_i32 = arith.constant 0 : i32
    %c0_i32_1 = arith.constant 0 : i32
    %c0_i32_2 = arith.constant 0 : i32
    return %add3A_0, %c0_i32, %c0_i32_1 : i32, i32, i32
  }
}

</mosaic_0001>

<sc_bundles>
// kernel: kernel.10.cloned.1.call-start
scs
__scs_entry_jumppad:
0x0: {  	(pc) =	sbr.rel $0x88, $3  }
0x1: {  	(tag) =	ssettag $0x0;
	lr =	simm.s32 $0x1  }
0x2: {  	[smem:$0x3F9F] =	sst lr;
	_ =	strace $0xD0000000  }
0x3: {  	_ = 	snop  }
0x4: {  	_ = 	snop  }
0x5: {  	_ = 	snop  }
0x6: {  	_ = 	snop  }
0x7: {  	_ = 	snop  }
__scs_overlays_trampoline_lowered:
0x8: {  	[smem:$0x3FAE] =	sst s0  }
0x9: {  	[smem:$0x3FAF] =	sst s1  }
0xa: {  	[smem:$0x3FB0] =	sst s2  }
0xb: {  	[smem:$0x3FB1] =	sst s3  }
0xc: {  	[smem:$0x3FB2] =	sst s4  }
0xd: {  	[smem:$0x3FB3] =	sst s5  }
0xe: {  	[smem:$0x3FB4] =	sst s6  }
0xf: {  	[smem:$0x3FB5] =	sst s7  }
0x10: {  	[smem:$0x3FB6] =	sst s8  }
0x11: {  	[smem:$0x3FB7] =	sst s9;
	s0 =	simm.s32 @!p0 $0x0  }
0x12: {  	s1 =	sld [smem:$0x3F9D];
	s0 =	simm.s32 @p0 $0x1  }
0x13: {  	[smem:$0x3FB8] =	sst s0;
	s0 =	simm.s32 @!p1 $0x0  }
0x14: {  	s2 =	sld [smem:$0x3F9C];
	s0 =	simm.s32 @p1 $0x1  }
0x15: {  	[smem:$0x3FB9] =	sst s0;
	s0 =	simm.s32 @!p2 $0x0  }
0x16: {  	s3 =	sld [smem:$0x3FDB];
	s0 =	simm.s32 @p2 $0x1  }
0x17: {  	s4 =	simm.s32 $0x1BF5;
	[smem:$0x3FBB] =	sst s0  }
0x18: {  	s0 =	sld [smem:$0x3F9E];
	_ =	swait.ge [sflag:s4], $0x0  }
0x19: {  	s7 =	sld [smem:$0x3F9F]  }
0x1a: {  	s8 =	sadd.s32 $0xFFFFE003, lr  }
0x1b: {  	s9 =	sadd.s32 $0xFFFFFEF7, lr;
	s5 =	simm.s32 $0xFFFFFFFF;
	p2 =	slt.u32 s8, $0xFFFFF086  }
0x1c: {  	p1 =	slt.u32 s9, $0xF7A;
	s5 =	simm.s32 @!p2 $0x0  }
0x1d: {  	s5 =	simm.s32 @p1 $0x1;
	p0 =	seq.s32 s7, s2  }
0x1e: {  	s7 =	smul.u32 @!p0 $0xF7A, s2;
	p2 =	seq.s32 @!p0 s5, $0x0  }
0x1f: {  	s9 =	smul.u32 $0xF7A, s1;
	s8 =	simm.s32 @!p0 $0x1BF5;
	p2 =	por !p2, p0  }
0x20: {  	[sflag:s8] =	ssyncset.s32 @!p0 $0xFFFFF086;
	s6 =	sadd.s32 @!p0 s3, s7;
	s7 =	simm.s32 @!p0 $0x108  }
0x21: {  	s3 =	sadd.s32 s3, s9;
	s6 =	sadd.s32 @!p0 $0x88, s6;
	s7 =	simm.s32 @p2 $0x1082  }
0x22: {  	[simem:s7], [sflag:s8] =	dma.local @!p0 [hbm:s6], $0xF7A  }
0x23: {  	s9 =	sor.u32 $0xD0000000, s2;
	s6 =	simm.s32 $0x108;
	_ =	swait.ge @!p0 [sflag:s8], $0x0  }
0x24: {  	s3 =	sadd.s32 $0x88, s3;
	s6 =	simm.s32 @!p1 $0x1082;
	[sflag:s4] =	ssyncset.s32 $0xFFFFF086  }
0x25: {  	[simem:s6], [sflag:s4] =	dma.local [hbm:s3], $0xF7A  }
0x26: {  	[smem:$0x3F9F] =	sst s1;
	(tag) =	ssettag s2;
	_ =	strace s9  }
0x27: {  	s1 =	sld [smem:$0x3FAF]  }
0x28: {  	s2 =	sld [smem:$0x3FB0]  }
0x29: {  	s4 =	sld [smem:$0x3FB2]  }
0x2a: {  	p0 =	seq.s32 s5, $0x0;
	s5 =	sld [smem:$0x3FB3]  }
0x2b: {  	s6 =	sld [smem:$0x3FB4]  }
0x2c: {  	s7 =	sld [smem:$0x3FB5]  }
0x2d: {  	s3 =	simm.s32 $0x108;
	s8 =	sld [smem:$0x3FB6]  }
0x2e: {  	s3 =	simm.s32 @!p0 $0x1082;
	s9 =	sld [smem:$0x3FB7]  }
0x2f: {  	lr =	sadd.s32 s0, s3;
	s0 =	sld [smem:$0x3FAE]  }
0x30: {  	s3 =	sld [smem:$0x3FB1]  }
0x31: {  	[smem:$0x3FBA] =	sst s10  }
0x32: {  	s10 =	sld [smem:$0x3FB8];
	_ =	sdelay $0x3  }
0x33: {  	p0 =	seq.s32 s10, $0x1;
	s10 =	sld [smem:$0x3FBA];
	_ =	sdelay $0x3  }
0x34: {  	[smem:$0x3FBA] =	sst s10  }
0x35: {  	s10 =	sld [smem:$0x3FB9];
	_ =	sdelay $0x3  }
0x36: {  	p1 =	seq.s32 s10, $0x1;
	s10 =	sld [smem:$0x3FBA];
	_ =	sdelay $0x3  }
0x37: {  	[smem:$0x3FBA] =	sst s10  }
0x38: {  	s10 =	sld [smem:$0x3FBB]  }
0x39: {  	_ = 	snop;
	(pc) =	sbr.ind lr, $3  }
0x3a: {  	_ = 	snop  }
0x3b: {  	_ = 	snop  }
0x3c: {  	p2 =	seq.s32 s10, $0x1;
	s10 =	sld [smem:$0x3FBA]  }
0x3d: {  	_ =	shalt  }
0x3e: {  	_ =	shalt  }
0x3f: {  	_ =	shalt  }
0x40: {  	_ =	shalt  }
0x41: {  	_ =	shalt  }
0x42: {  	_ =	shalt  }
0x43: {  	_ =	shalt  }
0x44: {  	_ =	shalt  }
0x45: {  	_ =	shalt  }
0x46: {  	_ =	shalt  }
0x47: {  	_ =	shalt  }
0x48: {  	_ =	shalt  }
0x49: {  	_ =	shalt  }
0x4a: {  	_ =	shalt  }
0x4b: {  	_ =	shalt  }
0x4c: {  	_ =	shalt  }
0x4d: {  	_ =	shalt  }
0x4e: {  	_ =	shalt  }
0x4f: {  	_ =	shalt  }
0x50: {  	_ =	shalt  }
0x51: {  	_ =	shalt  }
0x52: {  	_ =	shalt  }
0x53: {  	_ =	shalt  }
0x54: {  	_ =	shalt  }
0x55: {  	_ =	shalt  }
0x56: {  	_ =	shalt  }
0x57: {  	_ =	shalt  }
0x58: {  	_ =	shalt  }
0x59: {  	_ =	shalt  }
0x5a: {  	_ =	shalt  }
0x5b: {  	_ =	shalt  }
0x5c: {  	_ =	shalt  }
0x5d: {  	_ =	shalt  }
0x5e: {  	_ =	shalt  }
0x5f: {  	_ =	shalt  }
0x60: {  	_ =	shalt  }
0x61: {  	_ =	shalt  }
0x62: {  	_ =	shalt  }
0x63: {  	_ =	shalt  }
0x64: {  	_ =	shalt  }
0x65: {  	_ =	shalt  }
0x66: {  	_ =	shalt  }
0x67: {  	_ =	shalt  }
0x68: {  	_ =	shalt  }
0x69: {  	_ =	shalt  }
0x6a: {  	_ =	shalt  }
0x6b: {  	_ =	shalt  }
0x6c: {  	_ =	shalt  }
0x6d: {  	_ =	shalt  }
0x6e: {  	_ =	shalt  }
0x6f: {  	_ =	shalt  }
0x70: {  	_ =	shalt  }
0x71: {  	_ =	shalt  }
0x72: {  	_ =	shalt  }
0x73: {  	_ =	shalt  }
0x74: {  	_ =	shalt  }
0x75: {  	_ =	shalt  }
0x76: {  	_ =	shalt  }
0x77: {  	_ =	shalt  }
0x78: {  	_ =	shalt  }
0x79: {  	_ =	shalt  }
0x7a: {  	_ =	shalt  }
0x7b: {  	_ =	shalt  }
0x7c: {  	_ =	shalt  }
0x7d: {  	_ =	shalt  }
0x7e: {  	_ =	shalt  }
0x7f: {  	_ =	shalt  }
0x80: {  	_ =	shalt  }
0x81: {  	_ =	shalt  }
0x82: {  	_ =	shalt  }
0x83: {  	_ =	shalt  }
0x84: {  	_ =	shalt  }
0x85: {  	_ =	shalt  }
0x86: {  	_ =	shalt  }
0x87: {  	_ =	shalt  }
.Lfunc_end0:
.L_simem_size_0:
called_computation.2_lowered:
.L_overlay_start_0:
0x88: {  	s2 =	sld [smem:$0x3FD9]  }
0x89: {  	s3 =	sld [smem:$0x3FFE];
	_ =	sdelay $0x1  }
0x8a: {  	s1 =	srdreg.scid  }
0x8b: {  	s0 =	sand.u32 $0x1, s1  }
0x8c: {  	s17 =	sshll.u32 s0, $0xA;
	s2 =	sadd.s32 s3, s2  }
0x8d: {  	s2 =	sadd.s32 s2, s17  }
0x8e: {  	[smem:$0x3FC6] =	sst s2  }
0x8f: {  	_ = 	snop  }
0x90: {  	s18 =	sld [smem:$0x3FD0];
	(tm) =	ssettm $0x1  }
0x91: {  	s19 =	sld [smem:$0x3FFB];
	_ =	sdelay $0x3  }
0x92: {  	_ =	strace s19  }
0x93: {  	s2 =	sld [smem:$0x3FFC];
	_ =	sdelay $0x3  }
0x94: {  	_ =	strace s2  }
0x95: {  	s2 =	sld [smem:$0x3FFD];
	_ =	sdelay $0x3  }
0x96: {  	_ =	strace s2  }
0x97: {  	_ =	strace $0x8FFFFFFF  }
0x98: {  	s20 =	sld [smem:$0x3FDB];
	_ =	sdelay $0x1  }
0x99: {  	s4 =	simm.s32 $_scs_section_size  }
0x9a: {  	s5 =	simm.s32 $_size__tile_overlayer_lowered;
	s6 =	simm.s32 $_tile_overlayer_lowered  }
0x9b: {  	s7 =	simm.s32 $0x1BFF;
	s21 =	sshll.u32 s6, $0x1;
	s4 =	sadd.s32 s4, s20  }
0x9c: {  	s22 =	simm.s32 $0x0;
	s5 =	sshll.u32 s5, $0x1;
	s6 =	sadd.s32 s21, s4  }
0x9d: {  	[timem:s22], [sflag:s7] =	dma.local [hbm:s6], s5  }
0x9e: {  	_ =	swait.ge [sflag:s7], s5  }
0x9f: {  	s5 =	ssub.s32 $0x0, s5;
	[sflag:s7] =	ssyncset.done $0x0  }
0xa0: {  	[sflag:s7] =	ssyncadd.s32 s5;
	_ =	sdelay $0x1  }
0xa1: {  	s23 =	simm.s32 $0x1B8B  }
0xa2: {  	_ =	swait.ge [sflag:s23], $0x1  }
0xa3: {  	[sflag:s23] =	ssyncset.done $0x0  }
0xa4: {  	[sflag:s23] =	ssyncadd.s32 $0xFFFFFFFF  }
0xa5: {  	s5 =	sld [smem:$0x0]  }
0xa6: {  	s6 =	sand.u32 $0xFFFFFFFE, s1  }
0xa7: {  	p0 =	sne.s32 s1, s6  }
0xa8: {  	s6 =	sshll.u32 @p0 s6, $0xE  }
0xa9: {  	s6 =	sadd.s32 @p0 $0x11B8D, s6;
	s7 =	sshll.u32 @p0 s5, $0x11  }
0xaa: {  	s6 =	sor.u32 @p0 s7, s6  }
0xab: {  	[sflag:s6] =	ssyncadd.remote.s32 @p0 $0x1;
	_ =	sdelay $0x1  }
0xac: {  	s6 =	simm.s32 @p0 $0x1B8D  }
0xad: {  	_ =	swait.eq @p0 [sflag:s6], $0x1  }
0xae: {  	[sflag:s6] =	ssyncadd.s32 @p0 $0xFFFFFFFF  }
0xaf: {  	s7 =	sshll.u32 @!p0 s1, $0xE  }
0xb0: {  	s7 =	sor.u32 @!p0 $0x4000, s7;
	s6 =	simm.s32 @!p0 $0x1B8D  }
0xb1: {  	s5 =	sshll.u32 @!p0 s5, $0x11;
	s7 =	sadd.s32 @!p0 $0x11B8D, s7;
	_ =	swait.eq @!p0 [sflag:s6], $0x1  }
0xb2: {  	s5 =	sor.u32 @!p0 s5, s7;
	[sflag:s6] =	ssyncadd.s32 @!p0 $0xFFFFFFFF  }
0xb3: {  	s25 =	simm.s32 $0x1B8E;
	s24 =	sld [smem:$0x3FFE];
	[sflag:s5] =	ssyncadd.remote.s32 @!p0 $0x1  }
0xb4: {  	s26 =	simm.s32 $execute0_lowered;
	[smem:$0x3FD2] =	sst s25  }
0xb5: {  	s6 =	sshll.u32 s26, $0x1;
	_ =	strace $0x80000049;
	[dreg:$0x1] =	wrdreg $0xFFFFFFFF  }
0xb6: {  	s28 =	simm.s32 $_size_execute0_lowered;
	s4 =	sadd.s32 s4, s6;
	[dreg:$0x0] =	wrdreg $0x0  }
0xb7: {  	s6 =	sshll.u32 s28, $0x1;
	[dreg:$0x2] =	wrdreg s4  }
0xb8: {  	[dreg:$0x3] =	wrdreg s6  }
0xb9: {  	[dreg:$0x4] =	wrdreg $0xC0  }
0xba: {  	_ =	task [dreg:s22], $0x5FFFF  }
0xbb: {  	[dreg:$0x1] =	wrdreg $0xFFFFFFFF  }
0xbc: {  	[dreg:$0x0] =	wrdreg $0x60  }
0xbd: {  	[dreg:$0x2] =	wrdreg s24  }
0xbe: {  	[dreg:$0x3] =	wrdreg s18  }
0xbf: {  	[dreg:$0x4] =	wrdreg $0xA  }
0xc0: {  	_ =	task.clear_ibuf [dreg:s22], $0x5FFFF;
	_ =	strace $0x90000049  }
0xc1: {  	s29 =	simm.s32 $0xA;
	_ =	strace $0x8000004B  }
0xc2: {  	_ =	swait.ge [sflag:s29], $0x1  }
0xc3: {  	[sflag:s29] =	ssyncadd.s32 $0xFFFFFFFF  }
0xc4: {  	_ =	strace $0x9000004B  }
0xc5: {  	_ =	sfence  }
0xc6: {  	s30 =	sld [smem:$0x0];
	_ =	sdelay $0x2  }
0xc7: {  	s31 =	sshll.u32 s1, $0xD;
	s1 =	sshrl.u32 s1, $0x2  }
0xc8: {  	s4 =	sand.u32 $0x4000, s31;
	s1 =	sadd.s32 s1, s30  }
0xc9: {  	s0 =	sor.u32 s4, s0;
	s1 =	sshll.u32 s1, $0x11  }
0xca: {  	s0 =	sor.u32 s1, s0  }
0xcb: {  	s0 =	sadd.s32 $0x8F2B, s0  }
0xcc: {  	[sflag:s0] =	ssyncadd.remote.s32 $0x1  }
0xcd: {  	_ =	sfence.sel $0xFFFF  }
0xce: {  	[dreg:$0x0] =	wrdreg $0xFFFFFFFF;
	(pc) =	sbr.abs _section_cstart, $3  }
0xcf: {  	[dreg:$0x1] =	wrdreg $0xFFFFFFFF  }
0xd0: {  	_ =	task.clear_ibuf [dreg:s22], $0x2FFFF;
	_ =	strace $0x9FFFFFFF  }
0xd1: {  	(tm) =	ssettm $0x7FFFFFFF  }
tec
execute0_lowered:
.L_overlay_start_1:
0x0: {  	(tag) =	ssettag $0x1  }
0x1: {  	s0 =	srdreg.scid;
	s5 =	rddreg [dreg:$0x0]  }
0x2: {  	s4 =	stileid.u32;
	s3 =	rddreg [dreg:$0x1];
	s16 =	simm.s32 $0x1800  }
0x3: {  	s17 =	simm.s32 $0x1C00;
	s0 =	sand.u32 $0x1, s0;
	s1 =	smul.u32 $0x1900, s4  }
0x4: {  	s18 =	simm.s32 $0x2400;
	s19 =	simm.s32 $0x2800;
	s2 =	smul.u32 $0xC80, s0  }
0x5: {  	s20 =	simm.s32 $0x3000;
	s21 =	simm.s32 $0x3400;
	s22 =	simm.s32 $0x3C00  }
0x6: {  	s23 =	simm.s32 $0x4000;
	s1 =	sadd.s32 s2, s1;
	s2 =	simm.s32 $0x0  }
0x7: {  	s24 =	simm.s32 $0x4800;
	s25 =	simm.s32 $0x4C00;
	[smem:$0x7FF] =	sst s2  }
0x8: {  	s7 =	simm.s32 $0x2;
	_ =	strace $0x8000004A;
	[dreg:$0x4] =	wrdreg s16  }
0x9: {  	s26 =	simm.s32 $0x5400;
	s8 =	simm.s32 $0x1000;
	[dreg:$0x5] =	wrdreg s17  }
0xa: {  	s9 =	simm.s32 $0x5800;
	s10 =	simm.s32 $0x6000;
	[dreg:$0x6] =	wrdreg s18  }
0xb: {  	s11 =	simm.s32 $0x6400;
	s12 =	simm.s32 $0x6C00;
	[dreg:$0x7] =	wrdreg s19  }
0xc: {  	s15 =	sshll.u32 s0, $0x9;
	s0 =	ssub.s32 $0x2, s0;
	[dreg:$0x8] =	wrdreg s20  }
0xd: {  	s13 =	simm.s32 $0x7000;
	s6 =	sshrl.u32 s0, $0x1;
	[dreg:$0x9] =	wrdreg s21  }
0xe: {  	s14 =	simm.s32 $0x7800;
	s0 =	ssub.s32 s0, s6;
	[dreg:$0xa] =	wrdreg s22  }
0xf: {  	s28 =	simm.s32 $0xC400;
	s0 =	smax.u32 s0, $0x1;
	[dreg:$0xb] =	wrdreg s23  }
0x10: {  	s29 =	simm.s32 $0xCC00;
	s30 =	simm.s32 $0x1;
	[dreg:$0x10] =	wrdreg s0  }
0x11: {  	s31 =	simm.s32 $0x0;
	s1 =	sshrl.u32 s1, $0x3;
	[dreg:$0xc] =	wrdreg s24  }
0x12: {  	s4 =	sshll.u32 s4, $0xA;
	s1 =	smul.u32 $0x180, s1;
	[dreg:$0xd] =	wrdreg s25  }
0x13: {  	[dreg:$0xe] =	wrdreg s26;
	s16 =	simm.s32 $0x8400;
	s17 =	simm.s32 $0x8800  }
0x14: {  	s18 =	simm.s32 $0x9000;
	s19 =	simm.s32 $0x9400;
	s20 =	simm.s32 $0x9C00  }
0x15: {  	s21 =	simm.s32 $0xA000;
	s22 =	simm.s32 $0xA800;
	s23 =	simm.s32 $0xAC00  }
0x16: {  	s24 =	simm.s32 $0xB400;
	s1 =	sadd.s32 s1, s3;
	s3 =	sor.u32 s15, s4  }
0x17: {  	v2 =	vlaneseq.u32;
	s25 =	simm.s32 $0xB800;
	s26 =	simm.s32 $0xC000;
	s4 =	sadd.s32 s3, s5  }
0x18: {  	vm0 =	vmmov $0xffff;
	vm1 =	vmmov $0xff;
	v1 =	vshrl.u32 v2, $0x3;
	s15 =	simm.s32 $0x7C00;
	[dreg:$0x3] =	wrdreg s1;
	s4 =	sadd.s32 $0x948C00, s4  }
0x19: {  	v0 =	vand.u32 $0x7, v2;
	v2 =	vor.u32 $0x8, v2;
	v1 =	vmul.u32 $0x8, v1;
	s3 =	sadd.s32 $0x4E00, s5;
	s5 =	sadd.s32 $0x4F00, s5;
	[dreg:$0xf] =	wrdreg s4  }
.LBB2_1:
0x1a: {  	s0 =	rddreg [dreg:$0xf]  }
0x1b: {  	[tilespmem:s2], [sflag:$0x2] =	stream.linear.gather [hbm4b:s0+s2], $0xC80, $0x38;
	[tilespmem:$0xD000] =	vst v63  }
0x1c: {  	_ =	swait.ge [sflag:s7], $0xC80  }
0x1d: {  	[sflag:s7] =	ssyncset.done $0x0  }
0x1e: {  	s1 =	simm.s32 $0x40;
	s0 =	simm.s32 $0x0;
	[sflag:s7] =	ssyncadd.s32 $0xFFFFF380  }
.LBB2_2:
0x1f: {  	v3 =	vld [tilespmem:s1+$0xFFFFFFC0];
	_ =	sdelay $0x4  }
0x20: {  	v4 =	vshrl.u32 v3, $0x3  }
0x21: {  	v4 =	vmul.u32 $0x18, v4  }
0x22: {  	v3 =	vand.u32 $0x7, v3  }
0x23: {  	v3 =	vor.u32 v3, v4  }
0x24: {  	v4 =	vperm.xlane v3, v0;
	_ =	sdelay $0x1  }
0x25: {  	v4 =	vadd.s32 v1, v4;
	_ =	sdelay $0x1  }
0x26: {  	v3 =	vperm.xlane v3, v2;
	_ =	sdelay $0x1  }
0x27: {  	v3 =	vadd.s32 v1, v3  }
0x28: {  	[tilespmem:s8], [sflag:$0x1] =	stream.indirect_vreg.gather [hbm4b:s3+s2], $0x80, v4, vm0, $0xb8;
	[tilespmem:$0xD000] =	vst v63  }
0x29: {  	s4 =	rddreg [dreg:$0x4]  }
0x2a: {  	[tilespmem:s4], [sflag:$0x1] =	stream.indirect_vreg.gather [hbm4b:s5+s2], $0x80, v4, vm1, $0xb8;
	[tilespmem:$0xD000] =	vst v63  }
0x2b: {  	s6 =	rddreg [dreg:$0x5]  }
0x2c: {  	[tilespmem:s6], [sflag:$0x1] =	stream.indirect_vreg.gather [hbm4b:s3+s2], $0x80, v3, vm0, $0xb8;
	[tilespmem:$0xD000] =	vst v63  }
0x2d: {  	s4 =	rddreg [dreg:$0x6]  }
0x2e: {  	[tilespmem:s4], [sflag:$0x1] =	stream.indirect_vreg.gather [hbm4b:s5+s2], $0x80, v3, vm1, $0xb8;
	[tilespmem:$0xD000] =	vst v63  }
0x2f: {  	v3 =	vld [tilespmem:s1+$0xFFFFFFD0];
	_ =	sdelay $0x4  }
0x30: {  	v57 =	vshrl.u32 v3, $0x3  }
0x31: {  	v4 =	vmul.u32 $0x18, v57  }
0x32: {  	v3 =	vand.u32 $0x7, v3  }
0x33: {  	v3 =	vor.u32 v3, v4  }
0x34: {  	v4 =	vperm.xlane v3, v0;
	_ =	sdelay $0x1  }
0x35: {  	v4 =	vadd.s32 v1, v4;
	_ =	sdelay $0x1  }
0x36: {  	v3 =	vperm.xlane v3, v2;
	_ =	sdelay $0x1  }
0x37: {  	s4 =	rddreg [dreg:$0x7];
	v3 =	vadd.s32 v1, v3  }
0x38: {  	[tilespmem:s4], [sflag:$0x1] =	stream.indirect_vreg.gather [hbm4b:s3+s2], $0x80, v4, vm0, $0xb8;
	[tilespmem:$0xD000] =	vst v63  }
0x39: {  	s6 =	rddreg [dreg:$0x8]  }
0x3a: {  	[tilespmem:s6], [sflag:$0x1] =	stream.indirect_vreg.gather [hbm4b:s5+s2], $0x80, v4, vm1, $0xb8;
	[tilespmem:$0xD000] =	vst v63  }
0x3b: {  	s4 =	rddreg [dreg:$0x9]  }
0x3c: {  	[tilespmem:s4], [sflag:$0x1] =	stream.indirect_vreg.gather [hbm4b:s3+s2], $0x80, v3, vm0, $0xb8;
	[tilespmem:$0xD000] =	vst v63  }
0x3d: {  	s6 =	rddreg [dreg:$0xa]  }
0x3e: {  	[tilespmem:s6], [sflag:$0x1] =	stream.indirect_vreg.gather [hbm4b:s5+s2], $0x80, v3, vm1, $0xb8;
	[tilespmem:$0xD000] =	vst v63  }
0x3f: {  	v3 =	vld [tilespmem:s1+$0xFFFFFFE0];
	_ =	sdelay $0x4  }
0x40: {  	v58 =	vshrl.u32 v3, $0x3  }
0x41: {  	v4 =	vmul.u32 $0x18, v58  }
0x42: {  	v3 =	vand.u32 $0x7, v3  }
0x43: {  	v3 =	vor.u32 v3, v4  }
0x44: {  	v4 =	vperm.xlane v3, v0;
	_ =	sdelay $0x1  }
0x45: {  	v4 =	vadd.s32 v1, v4;
	_ =	sdelay $0x1  }
0x46: {  	v3 =	vperm.xlane v3, v2;
	_ =	sdelay $0x1  }
0x47: {  	s4 =	rddreg [dreg:$0xb];
	v3 =	vadd.s32 v1, v3  }
0x48: {  	[tilespmem:s4], [sflag:$0x1] =	stream.indirect_vreg.gather [hbm4b:s3+s2], $0x80, v4, vm0, $0xb8;
	[tilespmem:$0xD000] =	vst v63  }
0x49: {  	s6 =	rddreg [dreg:$0xc]  }
0x4a: {  	[tilespmem:s6], [sflag:$0x1] =	stream.indirect_vreg.gather [hbm4b:s5+s2], $0x80, v4, vm1, $0xb8;
	[tilespmem:$0xD000] =	vst v63  }
0x4b: {  	s4 =	rddreg [dreg:$0xd]  }
0x4c: {  	[tilespmem:s4], [sflag:$0x1] =	stream.indirect_vreg.gather [hbm4b:s3+s2], $0x80, v3, vm0, $0xb8;
	[tilespmem:$0xD000] =	vst v63  }
0x4d: {  	s6 =	rddreg [dreg:$0xe]  }
0x4e: {  	[tilespmem:s6], [sflag:$0x1] =	stream.indirect_vreg.gather [hbm4b:s5+s2], $0x80, v3, vm1, $0xb8;
	[tilespmem:$0xD000] =	vst v63  }
0x4f: {  	v3 =	vld [tilespmem:s1+$0xFFFFFFF0];
	_ =	sdelay $0x4  }
0x50: {  	v59 =	vshrl.u32 v3, $0x3  }
0x51: {  	v4 =	vmul.u32 $0x18, v59  }
0x52: {  	v3 =	vand.u32 $0x7, v3  }
0x53: {  	v3 =	vor.u32 v3, v4  }
0x54: {  	v4 =	vperm.xlane v3, v0;
	_ =	sdelay $0x1  }
0x55: {  	v4 =	vadd.s32 v1, v4;
	_ =	sdelay $0x1  }
0x56: {  	v3 =	vperm.xlane v3, v2;
	_ =	sdelay $0x1  }
0x57: {  	v3 =	vadd.s32 v1, v3  }
0x58: {  	[tilespmem:s9], [sflag:$0x1] =	stream.indirect_vreg.gather [hbm4b:s3+s2], $0x80, v4, vm0, $0xb8;
	[tilespmem:$0xD000] =	vst v63  }
0x59: {  	_ = 	snop  }
0x5a: {  	[tilespmem:s10], [sflag:$0x1] =	stream.indirect_vreg.gather [hbm4b:s5+s2], $0x80, v4, vm1, $0xb8;
	[tilespmem:$0xD000] =	vst v63  }
0x5b: {  	_ = 	snop  }
0x5c: {  	[tilespmem:s11], [sflag:$0x1] =	stream.indirect_vreg.gather [hbm4b:s3+s2], $0x80, v3, vm0, $0xb8;
	[tilespmem:$0xD000] =	vst v63  }
0x5d: {  	_ = 	snop  }
0x5e: {  	[tilespmem:s12], [sflag:$0x1] =	stream.indirect_vreg.gather [hbm4b:s5+s2], $0x80, v3, vm1, $0xb8;
	[tilespmem:$0xD000] =	vst v63  }
0x5f: {  	v3 =	vld [tilespmem:s1+$0x0];
	_ =	sdelay $0x4  }
0x60: {  	v60 =	vshrl.u32 v3, $0x3  }
0x61: {  	v4 =	vmul.u32 $0x18, v60  }
0x62: {  	v3 =	vand.u32 $0x7, v3  }
0x63: {  	v3 =	vor.u32 v3, v4  }
0x64: {  	v4 =	vperm.xlane v3, v0;
	_ =	sdelay $0x1  }
0x65: {  	v4 =	vadd.s32 v1, v4;
	_ =	sdelay $0x1  }
0x66: {  	v3 =	vperm.xlane v3, v2;
	_ =	sdelay $0x1  }
0x67: {  	v3 =	vadd.s32 v1, v3  }
0x68: {  	[tilespmem:s13], [sflag:$0x1] =	stream.indirect_vreg.gather [hbm4b:s3+s2], $0x80, v4, vm0, $0xb8;
	[tilespmem:$0xD000] =	vst v63  }
0x69: {  	_ = 	snop  }
0x6a: {  	[tilespmem:s14], [sflag:$0x1] =	stream.indirect_vreg.gather [hbm4b:s5+s2], $0x80, v4, vm1, $0xb8;
	[tilespmem:$0xD000] =	vst v63  }
0x6b: {  	_ = 	snop  }
0x6c: {  	[tilespmem:s15], [sflag:$0x1] =	stream.indirect_vreg.gather [hbm4b:s3+s2], $0x80, v3, vm0, $0xb8;
	[tilespmem:$0xD000] =	vst v63  }
0x6d: {  	_ = 	snop  }
0x6e: {  	[tilespmem:s16], [sflag:$0x1] =	stream.indirect_vreg.gather [hbm4b:s5+s2], $0x80, v3, vm1, $0xb8;
	[tilespmem:$0xD000] =	vst v63  }
0x6f: {  	v3 =	vld [tilespmem:s1+$0x10];
	_ =	sdelay $0x4  }
0x70: {  	v61 =	vshrl.u32 v3, $0x3  }
0x71: {  	v4 =	vmul.u32 $0x18, v61  }
0x72: {  	v3 =	vand.u32 $0x7, v3  }
0x73: {  	v3 =	vor.u32 v3, v4  }
0x74: {  	v4 =	vperm.xlane v3, v0;
	_ =	sdelay $0x1  }
0x75: {  	v4 =	vadd.s32 v1, v4;
	_ =	sdelay $0x1  }
0x76: {  	v3 =	vperm.xlane v3, v2;
	_ =	sdelay $0x1  }
0x77: {  	v3 =	vadd.s32 v1, v3  }
0x78: {  	[tilespmem:s17], [sflag:$0x1] =	stream.indirect_vreg.gather [hbm4b:s3+s2], $0x80, v4, vm0, $0xb8;
	[tilespmem:$0xD000] =	vst v63  }
0x79: {  	_ = 	snop  }
0x7a: {  	[tilespmem:s18], [sflag:$0x1] =	stream.indirect_vreg.gather [hbm4b:s5+s2], $0x80, v4, vm1, $0xb8;
	[tilespmem:$0xD000] =	vst v63  }
0x7b: {  	_ = 	snop  }
0x7c: {  	[tilespmem:s19], [sflag:$0x1] =	stream.indirect_vreg.gather [hbm4b:s3+s2], $0x80, v3, vm0, $0xb8;
	[tilespmem:$0xD000] =	vst v63  }
0x7d: {  	_ = 	snop  }
0x7e: {  	[tilespmem:s20], [sflag:$0x1] =	stream.indirect_vreg.gather [hbm4b:s5+s2], $0x80, v3, vm1, $0xb8;
	[tilespmem:$0xD000] =	vst v63  }
0x7f: {  	v3 =	vld [tilespmem:s1+$0x20];
	_ =	sdelay $0x4  }
0x80: {  	v62 =	vshrl.u32 v3, $0x3  }
0x81: {  	v4 =	vmul.u32 $0x18, v62  }
0x82: {  	v3 =	vand.u32 $0x7, v3  }
0x83: {  	v3 =	vor.u32 v3, v4  }
0x84: {  	v4 =	vperm.xlane v3, v0;
	_ =	sdelay $0x1  }
0x85: {  	v4 =	vadd.s32 v1, v4;
	_ =	sdelay $0x1  }
0x86: {  	v3 =	vperm.xlane v3, v2;
	_ =	sdelay $0x1  }
0x87: {  	v3 =	vadd.s32 v1, v3  }
0x88: {  	[tilespmem:s21], [sflag:$0x1] =	stream.indirect_vreg.gather [hbm4b:s3+s2], $0x80, v4, vm0, $0xb8;
	[tilespmem:$0xD000] =	vst v63  }
0x89: {  	_ = 	snop  }
0x8a: {  	[tilespmem:s22], [sflag:$0x1] =	stream.indirect_vreg.gather [hbm4b:s5+s2], $0x80, v4, vm1, $0xb8;
	[tilespmem:$0xD000] =	vst v63  }
0x8b: {  	_ = 	snop  }
0x8c: {  	[tilespmem:s23], [sflag:$0x1] =	stream.indirect_vreg.gather [hbm4b:s3+s2], $0x80, v3, vm0, $0xb8;
	[tilespmem:$0xD000] =	vst v63  }
0x8d: {  	_ = 	snop  }
0x8e: {  	[tilespmem:s24], [sflag:$0x1] =	stream.indirect_vreg.gather [hbm4b:s5+s2], $0x80, v3, vm1, $0xb8;
	[tilespmem:$0xD000] =	vst v63  }
0x8f: {  	v3 =	vld [tilespmem:s1+$0x30];
	_ =	sdelay $0x4  }
0x90: {  	v63 =	vshrl.u32 v3, $0x3  }
0x91: {  	v4 =	vmul.u32 $0x18, v63  }
0x92: {  	v3 =	vand.u32 $0x7, v3  }
0x93: {  	v3 =	vor.u32 v3, v4  }
0x94: {  	v4 =	vperm.xlane v3, v0;
	_ =	sdelay $0x1  }
0x95: {  	v4 =	vadd.s32 v1, v4;
	_ =	sdelay $0x1  }
0x96: {  	v3 =	vperm.xlane v3, v2;
	_ =	sdelay $0x1  }
0x97: {  	v3 =	vadd.s32 v1, v3  }
0x98: {  	[tilespmem:s25], [sflag:$0x1] =	stream.indirect_vreg.gather [hbm4b:s3+s2], $0x80, v4, vm0, $0xb8;
	[tilespmem:$0xD000] =	vst v63  }
0x99: {  	_ = 	snop  }
0x9a: {  	[tilespmem:s26], [sflag:$0x1] =	stream.indirect_vreg.gather [hbm4b:s5+s2], $0x80, v4, vm1, $0xb8;
	[tilespmem:$0xD000] =	vst v63  }
0x9b: {  	_ = 	snop  }
0x9c: {  	[tilespmem:s28], [sflag:$0x1] =	stream.indirect_vreg.gather [hbm4b:s3+s2], $0x80, v3, vm0, $0xb8;
	[tilespmem:$0xD000] =	vst v63  }
0x9d: {  	_ = 	snop  }
0x9e: {  	[tilespmem:s29], [sflag:$0x1] =	stream.indirect_vreg.gather [hbm4b:s5+s2], $0x80, v3, vm1, $0xb8;
	[tilespmem:$0xD000] =	vst v63  }
0x9f: {  	_ =	swait.ge [sflag:s30], $0xC000  }
0xa0: {  	p0 =	sne.s32 s0, $0x24000;
	s6 =	rddreg [dreg:$0x3];
	[sflag:s30] =	ssyncset.done $0x0  }
.Ltmp0:
0xa1: {  	[sflag:s30] =	ssyncadd.s32 $0xFFFF4000;
	s4 =	sadd.s32 s0, s6;
	(pc) =	sbr.rel @p0 .LBB2_2-.Ltmp0, $4  }
0xa2: {  	[hbm4b:s4+s2] =	stream.linear.scatter [tilespmem:s8], [sflag:$0x2], $0xC000, $0x38;
	[tilespmem:$0xD000] =	vst v63  }
0xa3: {  	_ =	swait.ge [sflag:s7], $0xC000  }
0xa4: {  	[sflag:s7] =	ssyncset.done $0x0  }
0xa5: {  	s1 =	sadd.s32 $0x80, s1;
	s0 =	sadd.s32 $0x1800, s0;
	[sflag:s7] =	ssyncadd.s32 $0xFFFF4000  }
0xa6: {  	s31 =	sadd.s32 $0x1, s31;
	s0 =	rddreg [dreg:$0x10]  }
0xa7: {  	p0 =	sne.s32 s31, s0  }
.Ltmp1:
0xa8: {  	_ = 	snop;
	(pc) =	sbr.rel @p0 .LBB2_1-.Ltmp1, $1  }
0xa9: {  	_ =	sdelay $0x3  }
0xaa: {  	_ =	sfence.sel $0x180000  }
0xab: {  	[bflag:$0x0] =	sbarrier.arrive $0xFFFF  }
0xac: {  	_ =	strace $0x9000004A  }
0xad: {  	s0 =	stileid.u32;
	[bflag:$0x2] =	sbarrier.arrive $0xFFFF  }
0xae: {  	p0 =	sne.s32 s0, $0x0;
	s0 =	rddreg [dreg:$0x2]  }
0xaf: {  	s0 =	sadd.s32 @!p0 $0x100000, s0  }
0xb0: {  	[sflag:s0] =	ssyncadd.tile.s32 @!p0 $0x1;
	_ =	shalt  }
.Lfunc_end2:
_tile_overlayer_lowered:
.L_overlay_start_2:
0xb1: {  	(tag) =	ssettag $0x2  }
0xb2: {  	s0 =	rddreg [dreg:$0x0];
	s2 =	stileid.u32  }
0xb3: {  	s1 =	rddreg [dreg:$0x1];
	p0 =	sne.s32 s2, $0x0  }
0xb4: {  	s3 =	rddreg [dreg:$0x2];
	[bflag:$0x3] =	sbarrier.arrive $0xFFFF;
	s2 =	simm.s32 @!p0 $0x1C02  }
0xb5: {  	[timem:s3], [sflag:s2] =	dma.local @!p0 [hbm:s0], s1  }
0xb6: {  	s0 =	simm.s32 @!p0 $0x2  }
0xb7: {  	_ =	swait.ge @!p0 [sflag:s0], s1  }
0xb8: {  	s1 =	ssub.s32 @!p0 $0x0, s1;
	[sflag:s0] =	ssyncset.done @!p0 $0x0  }
0xb9: {  	[sflag:s0] =	ssyncadd.s32 @!p0 s1  }
0xba: {  	[bflag:$0x3] =	sbarrier.arrive $0xFFFF  }
0xbb: {  	_ =	shalt  }

// kernel: kernel.7.cloned.1.call-start
scs
__scs_entry_jumppad:
0x0: {  	(pc) =	sbr.rel $0x88, $3  }
0x1: {  	(tag) =	ssettag $0x0;
	lr =	simm.s32 $0x1  }
0x2: {  	[smem:$0x3F9F] =	sst lr;
	_ =	strace $0xD0000000  }
0x3: {  	_ = 	snop  }
0x4: {  	_ = 	snop  }
0x5: {  	_ = 	snop  }
0x6: {  	_ = 	snop  }
0x7: {  	_ = 	snop  }
__scs_overlays_trampoline_lowered:
0x8: {  	[smem:$0x3FAE] =	sst s0  }
0x9: {  	[smem:$0x3FAF] =	sst s1  }
0xa: {  	[smem:$0x3FB0] =	sst s2  }
0xb: {  	[smem:$0x3FB1] =	sst s3  }
0xc: {  	[smem:$0x3FB2] =	sst s4  }
0xd: {  	[smem:$0x3FB3] =	sst s5  }
0xe: {  	[smem:$0x3FB4] =	sst s6  }
0xf: {  	[smem:$0x3FB5] =	sst s7  }
0x10: {  	[smem:$0x3FB6] =	sst s8  }
0x11: {  	[smem:$0x3FB7] =	sst s9;
	s0 =	simm.s32 @!p0 $0x0  }
0x12: {  	s1 =	sld [smem:$0x3F9D];
	s0 =	simm.s32 @p0 $0x1  }
0x13: {  	[smem:$0x3FB8] =	sst s0;
	s0 =	simm.s32 @!p1 $0x0  }
0x14: {  	s2 =	sld [smem:$0x3F9C];
	s0 =	simm.s32 @p1 $0x1  }
0x15: {  	[smem:$0x3FB9] =	sst s0;
	s0 =	simm.s32 @!p2 $0x0  }
0x16: {  	s3 =	sld [smem:$0x3FDB];
	s0 =	simm.s32 @p2 $0x1  }
0x17: {  	s4 =	simm.s32 $0x1BF5;
	[smem:$0x3FBB] =	sst s0  }
0x18: {  	s0 =	sld [smem:$0x3F9E];
	_ =	swait.ge [sflag:s4], $0x0  }
0x19: {  	s7 =	sld [smem:$0x3F9F]  }
0x1a: {  	s8 =	sadd.s32 $0xFFFFE003, lr  }
0x1b: {  	s9 =	sadd.s32 $0xFFFFFEF7, lr;
	s5 =	simm.s32 $0xFFFFFFFF;
	p2 =	slt.u32 s8, $0xFFFFF086  }
0x1c: {  	p1 =	slt.u32 s9, $0xF7A;
	s5 =	simm.s32 @!p2 $0x0  }
0x1d: {  	s5 =	simm.s32 @p1 $0x1;
	p0 =	seq.s32 s7, s2  }
0x1e: {  	s7 =	smul.u32 @!p0 $0xF7A, s2;
	p2 =	seq.s32 @!p0 s5, $0x0  }
0x1f: {  	s9 =	smul.u32 $0xF7A, s1;
	s8 =	simm.s32 @!p0 $0x1BF5;
	p2 =	por !p2, p0  }
0x20: {  	[sflag:s8] =	ssyncset.s32 @!p0 $0xFFFFF086;
	s6 =	sadd.s32 @!p0 s3, s7;
	s7 =	simm.s32 @!p0 $0x108  }
0x21: {  	s3 =	sadd.s32 s3, s9;
	s6 =	sadd.s32 @!p0 $0x88, s6;
	s7 =	simm.s32 @p2 $0x1082  }
0x22: {  	[simem:s7], [sflag:s8] =	dma.local @!p0 [hbm:s6], $0xF7A  }
0x23: {  	s9 =	sor.u32 $0xD0000000, s2;
	s6 =	simm.s32 $0x108;
	_ =	swait.ge @!p0 [sflag:s8], $0x0  }
0x24: {  	s3 =	sadd.s32 $0x88, s3;
	s6 =	simm.s32 @!p1 $0x1082;
	[sflag:s4] =	ssyncset.s32 $0xFFFFF086  }
0x25: {  	[simem:s6], [sflag:s4] =	dma.local [hbm:s3], $0xF7A  }
0x26: {  	[smem:$0x3F9F] =	sst s1;
	(tag) =	ssettag s2;
	_ =	strace s9  }
0x27: {  	s1 =	sld [smem:$0x3FAF]  }
0x28: {  	s2 =	sld [smem:$0x3FB0]  }
0x29: {  	s4 =	sld [smem:$0x3FB2]  }
0x2a: {  	p0 =	seq.s32 s5, $0x0;
	s5 =	sld [smem:$0x3FB3]  }
0x2b: {  	s6 =	sld [smem:$0x3FB4]  }
0x2c: {  	s7 =	sld [smem:$0x3FB5]  }
0x2d: {  	s3 =	simm.s32 $0x108;
	s8 =	sld [smem:$0x3FB6]  }
0x2e: {  	s3 =	simm.s32 @!p0 $0x1082;
	s9 =	sld [smem:$0x3FB7]  }
0x2f: {  	lr =	sadd.s32 s0, s3;
	s0 =	sld [smem:$0x3FAE]  }
0x30: {  	s3 =	sld [smem:$0x3FB1]  }
0x31: {  	[smem:$0x3FBA] =	sst s10  }
0x32: {  	s10 =	sld [smem:$0x3FB8];
	_ =	sdelay $0x3  }
0x33: {  	p0 =	seq.s32 s10, $0x1;
	s10 =	sld [smem:$0x3FBA];
	_ =	sdelay $0x3  }
0x34: {  	[smem:$0x3FBA] =	sst s10  }
0x35: {  	s10 =	sld [smem:$0x3FB9];
	_ =	sdelay $0x3  }
0x36: {  	p1 =	seq.s32 s10, $0x1;
	s10 =	sld [smem:$0x3FBA];
	_ =	sdelay $0x3  }
0x37: {  	[smem:$0x3FBA] =	sst s10  }
0x38: {  	s10 =	sld [smem:$0x3FBB]  }
0x39: {  	_ = 	snop;
	(pc) =	sbr.ind lr, $3  }
0x3a: {  	_ = 	snop  }
0x3b: {  	_ = 	snop  }
0x3c: {  	p2 =	seq.s32 s10, $0x1;
	s10 =	sld [smem:$0x3FBA]  }
0x3d: {  	_ =	shalt  }
0x3e: {  	_ =	shalt  }
0x3f: {  	_ =	shalt  }
0x40: {  	_ =	shalt  }
0x41: {  	_ =	shalt  }
0x42: {  	_ =	shalt  }
0x43: {  	_ =	shalt  }
0x44: {  	_ =	shalt  }
0x45: {  	_ =	shalt  }
0x46: {  	_ =	shalt  }
0x47: {  	_ =	shalt  }
0x48: {  	_ =	shalt  }
0x49: {  	_ =	shalt  }
0x4a: {  	_ =	shalt  }
0x4b: {  	_ =	shalt  }
0x4c: {  	_ =	shalt  }
0x4d: {  	_ =	shalt  }
0x4e: {  	_ =	shalt  }
0x4f: {  	_ =	shalt  }
0x50: {  	_ =	shalt  }
0x51: {  	_ =	shalt  }
0x52: {  	_ =	shalt  }
0x53: {  	_ =	shalt  }
0x54: {  	_ =	shalt  }
0x55: {  	_ =	shalt  }
0x56: {  	_ =	shalt  }
0x57: {  	_ =	shalt  }
0x58: {  	_ =	shalt  }
0x59: {  	_ =	shalt  }
0x5a: {  	_ =	shalt  }
0x5b: {  	_ =	shalt  }
0x5c: {  	_ =	shalt  }
0x5d: {  	_ =	shalt  }
0x5e: {  	_ =	shalt  }
0x5f: {  	_ =	shalt  }
0x60: {  	_ =	shalt  }
0x61: {  	_ =	shalt  }
0x62: {  	_ =	shalt  }
0x63: {  	_ =	shalt  }
0x64: {  	_ =	shalt  }
0x65: {  	_ =	shalt  }
0x66: {  	_ =	shalt  }
0x67: {  	_ =	shalt  }
0x68: {  	_ =	shalt  }
0x69: {  	_ =	shalt  }
0x6a: {  	_ =	shalt  }
0x6b: {  	_ =	shalt  }
0x6c: {  	_ =	shalt  }
0x6d: {  	_ =	shalt  }
0x6e: {  	_ =	shalt  }
0x6f: {  	_ =	shalt  }
0x70: {  	_ =	shalt  }
0x71: {  	_ =	shalt  }
0x72: {  	_ =	shalt  }
0x73: {  	_ =	shalt  }
0x74: {  	_ =	shalt  }
0x75: {  	_ =	shalt  }
0x76: {  	_ =	shalt  }
0x77: {  	_ =	shalt  }
0x78: {  	_ =	shalt  }
0x79: {  	_ =	shalt  }
0x7a: {  	_ =	shalt  }
0x7b: {  	_ =	shalt  }
0x7c: {  	_ =	shalt  }
0x7d: {  	_ =	shalt  }
0x7e: {  	_ =	shalt  }
0x7f: {  	_ =	shalt  }
0x80: {  	_ =	shalt  }
0x81: {  	_ =	shalt  }
0x82: {  	_ =	shalt  }
0x83: {  	_ =	shalt  }
0x84: {  	_ =	shalt  }
0x85: {  	_ =	shalt  }
0x86: {  	_ =	shalt  }
0x87: {  	_ =	shalt  }
.Lfunc_end0:
.L_simem_size_0:
called_computation.1_lowered:
.L_overlay_start_0:
0x88: {  	s2 =	sld [smem:$0x3FD9]  }
0x89: {  	s3 =	sld [smem:$0x3FFE];
	_ =	sdelay $0x1  }
0x8a: {  	s1 =	srdreg.scid  }
0x8b: {  	s0 =	sand.u32 $0x1, s1  }
0x8c: {  	s16 =	sshll.u32 s0, $0xA;
	s2 =	sadd.s32 s3, s2  }
0x8d: {  	s2 =	sadd.s32 s2, s16  }
0x8e: {  	[smem:$0x3FC6] =	sst s2  }
0x8f: {  	_ = 	snop  }
0x90: {  	(tm) =	ssettm $0x1  }
0x91: {  	s17 =	sld [smem:$0x3FFB];
	_ =	sdelay $0x3  }
0x92: {  	_ =	strace s17  }
0x93: {  	s2 =	sld [smem:$0x3FFC];
	_ =	sdelay $0x3  }
0x94: {  	_ =	strace s2  }
0x95: {  	s2 =	sld [smem:$0x3FFD];
	_ =	sdelay $0x3  }
0x96: {  	_ =	strace s2  }
0x97: {  	_ =	strace $0x8FFFFFFF  }
0x98: {  	s18 =	sld [smem:$0x3FDB];
	_ =	sdelay $0x1  }
0x99: {  	s19 =	simm.s32 $_scs_section_size  }
0x9a: {  	s4 =	simm.s32 $_size__tile_overlayer_lowered;
	s5 =	simm.s32 $_tile_overlayer_lowered  }
0x9b: {  	s22 =	simm.s32 $0x1BFF;
	s21 =	sshll.u32 s5, $0x1;
	s2 =	sadd.s32 s19, s18  }
0x9c: {  	s6 =	simm.s32 $0x0;
	s20 =	sshll.u32 s4, $0x1;
	s4 =	sadd.s32 s21, s2  }
0x9d: {  	[timem:s6], [sflag:s22] =	dma.local [hbm:s4], s20  }
0x9e: {  	_ =	swait.ge [sflag:s22], s20  }
0x9f: {  	s3 =	ssub.s32 $0x0, s20;
	[sflag:s22] =	ssyncset.done $0x0  }
0xa0: {  	[sflag:s22] =	ssyncadd.s32 s3;
	_ =	sdelay $0x1  }
0xa1: {  	s23 =	simm.s32 $0x1B8B  }
0xa2: {  	_ =	swait.ge [sflag:s23], $0x1  }
0xa3: {  	[sflag:s23] =	ssyncset.done $0x0  }
0xa4: {  	s25 =	simm.s32 $0x1B8E;
	s24 =	sld [smem:$0x3FFE];
	[sflag:s23] =	ssyncadd.s32 $0xFFFFFFFF  }
0xa5: {  	s26 =	simm.s32 $execute0_lowered;
	[smem:$0x3FD2] =	sst s25  }
0xa6: {  	s4 =	sshll.u32 s26, $0x1;
	_ =	strace $0x80000046;
	[dreg:$0x1] =	wrdreg $0xFFFFFFFF  }
0xa7: {  	s28 =	simm.s32 $_size_execute0_lowered;
	s2 =	sadd.s32 s2, s4;
	[dreg:$0x0] =	wrdreg $0x0  }
0xa8: {  	s4 =	sshll.u32 s28, $0x1;
	[dreg:$0x2] =	wrdreg s2  }
0xa9: {  	[dreg:$0x3] =	wrdreg s4  }
0xaa: {  	[dreg:$0x4] =	wrdreg $0xC0  }
0xab: {  	_ =	task [dreg:s6], $0x5FFFF  }
0xac: {  	[dreg:$0x1] =	wrdreg $0xFFFFFFFF  }
0xad: {  	[dreg:$0x0] =	wrdreg $0x60  }
0xae: {  	[dreg:$0x2] =	wrdreg s24  }
0xaf: {  	[dreg:$0x3] =	wrdreg $0x9  }
0xb0: {  	_ =	task.clear_ibuf [dreg:s6], $0x4FFFF;
	_ =	strace $0x90000046  }
0xb1: {  	s29 =	simm.s32 $0x9;
	_ =	strace $0x80000048  }
0xb2: {  	_ =	swait.ge [sflag:s29], $0x1  }
0xb3: {  	[sflag:s29] =	ssyncadd.s32 $0xFFFFFFFF  }
0xb4: {  	_ =	strace $0x90000048  }
0xb5: {  	_ =	sfence  }
0xb6: {  	s30 =	sld [smem:$0x0];
	_ =	sdelay $0x2  }
0xb7: {  	s31 =	sshll.u32 s1, $0xD;
	s1 =	sshrl.u32 s1, $0x2  }
0xb8: {  	s3 =	sand.u32 $0x4000, s31;
	s1 =	sadd.s32 s1, s30  }
0xb9: {  	s0 =	sor.u32 s3, s0;
	s1 =	sshll.u32 s1, $0x11  }
0xba: {  	s0 =	sor.u32 s1, s0  }
0xbb: {  	s0 =	sadd.s32 $0x8F2B, s0  }
0xbc: {  	[sflag:s0] =	ssyncadd.remote.s32 $0x1  }
0xbd: {  	_ =	sfence.sel $0xFFFF  }
0xbe: {  	[dreg:$0x0] =	wrdreg $0xFFFFFFFF;
	(pc) =	sbr.abs _section_cstart, $3  }
0xbf: {  	[dreg:$0x1] =	wrdreg $0xFFFFFFFF  }
0xc0: {  	_ =	task.clear_ibuf [dreg:s6], $0x2FFFF;
	_ =	strace $0x9FFFFFFF  }
0xc1: {  	(tm) =	ssettm $0x7FFFFFFF  }
tec
execute0_lowered:
.L_overlay_start_1:
0x0: {  	(tag) =	ssettag $0x1  }
0x1: {  	s0 =	srdreg.scid;
	s3 =	stileid.u32  }
0x2: {  	s5 =	rddreg [dreg:$0x0];
	s16 =	simm.s32 $0x1800;
	s17 =	simm.s32 $0x1C00  }
0x3: {  	s18 =	simm.s32 $0x2400;
	s0 =	sand.u32 $0x1, s0;
	s1 =	smul.u32 $0x1900, s3  }
0x4: {  	s19 =	simm.s32 $0x2800;
	s20 =	simm.s32 $0x3000;
	s2 =	smul.u32 $0xC80, s0  }
0x5: {  	s21 =	simm.s32 $0x3400;
	s22 =	simm.s32 $0x3C00;
	s23 =	simm.s32 $0x4000  }
0x6: {  	s24 =	simm.s32 $0x4800;
	s1 =	sadd.s32 s2, s1;
	s2 =	simm.s32 $0x0  }
0x7: {  	s25 =	simm.s32 $0x4C00;
	s7 =	simm.s32 $0x2;
	[smem:$0x7FF] =	sst s2  }
0x8: {  	s26 =	simm.s32 $0x5400;
	_ =	strace $0x80000047;
	[dreg:$0x3] =	wrdreg s16  }
0x9: {  	s8 =	simm.s32 $0x1000;
	s9 =	simm.s32 $0x5800;
	[dreg:$0x4] =	wrdreg s17  }
0xa: {  	s3 =	sshll.u32 s3, $0xA;
	s4 =	sshll.u32 s0, $0x9;
	[dreg:$0x5] =	wrdreg s18  }
0xb: {  	s10 =	simm.s32 $0x6000;
	s3 =	sor.u32 s4, s3;
	[dreg:$0x6] =	wrdreg s19  }
0xc: {  	s11 =	simm.s32 $0x6400;
	s4 =	sadd.s32 s3, s5;
	[dreg:$0x7] =	wrdreg s20  }
0xd: {  	s0 =	ssub.s32 $0x2, s0;
	s4 =	sadd.s32 $0xE00, s4;
	[dreg:$0x8] =	wrdreg s21  }
0xe: {  	s12 =	simm.s32 $0x6C00;
	s6 =	sshrl.u32 s0, $0x1;
	[dreg:$0xe] =	wrdreg s4  }
0xf: {  	s13 =	simm.s32 $0x7000;
	s0 =	ssub.s32 s0, s6;
	[dreg:$0x9] =	wrdreg s22  }
0x10: {  	s14 =	simm.s32 $0x7800;
	s0 =	smax.u32 s0, $0x1;
	[dreg:$0xa] =	wrdreg s23  }
0x11: {  	s15 =	simm.s32 $0x7C00;
	s28 =	simm.s32 $0xC400;
	[dreg:$0xf] =	wrdreg s0  }
0x12: {  	s29 =	simm.s32 $0xCC00;
	s30 =	simm.s32 $0x1;
	[dreg:$0xb] =	wrdreg s24  }
0x13: {  	s31 =	simm.s32 $0x0;
	s1 =	sshrl.u32 s1, $0x3;
	[dreg:$0xc] =	wrdreg s25  }
0x14: {  	s3 =	sadd.s32 $0x4E00, s5;
	s1 =	smul.u32 $0x180, s1;
	[dreg:$0xd] =	wrdreg s26  }
0x15: {  	s16 =	simm.s32 $0x8400;
	s17 =	simm.s32 $0x8800;
	s18 =	simm.s32 $0x9000  }
0x16: {  	s19 =	simm.s32 $0x9400;
	s20 =	simm.s32 $0x9C00;
	s21 =	simm.s32 $0xA000  }
0x17: {  	v2 =	vlaneseq.u32;
	s22 =	simm.s32 $0xA800;
	s23 =	simm.s32 $0xAC00;
	s1 =	sadd.s32 s1, s5  }
0x18: {  	vm0 =	vmmov $0xffff;
	vm1 =	vmmov $0xff;
	v1 =	vshrl.u32 v2, $0x3;
	s24 =	simm.s32 $0xB400;
	s25 =	simm.s32 $0xB800;
	s1 =	sadd.s32 $0x498C00, s1  }
0x19: {  	v0 =	vand.u32 $0x7, v2;
	v2 =	vor.u32 $0x8, v2;
	v1 =	vmul.u32 $0x8, v1;
	s26 =	simm.s32 $0xC000;
	s5 =	sadd.s32 $0x4F00, s5;
	[dreg:$0x2] =	wrdreg s1  }
.LBB2_1:
0x1a: {  	s0 =	rddreg [dreg:$0xe]  }
0x1b: {  	[tilespmem:s2], [sflag:$0x2] =	stream.linear.gather [hbm4b:s0+s2], $0xC80, $0x38;
	[tilespmem:$0xD000] =	vst v63  }
0x1c: {  	_ =	swait.ge [sflag:s7], $0xC80  }
0x1d: {  	[sflag:s7] =	ssyncset.done $0x0  }
0x1e: {  	s1 =	simm.s32 $0x40;
	s0 =	simm.s32 $0x0;
	[sflag:s7] =	ssyncadd.s32 $0xFFFFF380  }
.LBB2_2:
0x1f: {  	v3 =	vld [tilespmem:s1+$0xFFFFFFC0];
	_ =	sdelay $0x4  }
0x20: {  	v4 =	vshrl.u32 v3, $0x3  }
0x21: {  	v4 =	vmul.u32 $0x18, v4  }
0x22: {  	v3 =	vand.u32 $0x7, v3  }
0x23: {  	v3 =	vor.u32 v3, v4  }
0x24: {  	v4 =	vperm.xlane v3, v0;
	_ =	sdelay $0x1  }
0x25: {  	v4 =	vadd.s32 v1, v4;
	_ =	sdelay $0x1  }
0x26: {  	v3 =	vperm.xlane v3, v2;
	_ =	sdelay $0x1  }
0x27: {  	v3 =	vadd.s32 v1, v3  }
0x28: {  	[tilespmem:s8], [sflag:$0x1] =	stream.indirect_vreg.gather [hbm4b:s3+s2], $0x80, v4, vm0, $0xb8;
	[tilespmem:$0xD000] =	vst v63  }
0x29: {  	s4 =	rddreg [dreg:$0x3]  }
0x2a: {  	[tilespmem:s4], [sflag:$0x1] =	stream.indirect_vreg.gather [hbm4b:s5+s2], $0x80, v4, vm1, $0xb8;
	[tilespmem:$0xD000] =	vst v63  }
0x2b: {  	s6 =	rddreg [dreg:$0x4]  }
0x2c: {  	[tilespmem:s6], [sflag:$0x1] =	stream.indirect_vreg.gather [hbm4b:s3+s2], $0x80, v3, vm0, $0xb8;
	[tilespmem:$0xD000] =	vst v63  }
0x2d: {  	s4 =	rddreg [dreg:$0x5]  }
0x2e: {  	[tilespmem:s4], [sflag:$0x1] =	stream.indirect_vreg.gather [hbm4b:s5+s2], $0x80, v3, vm1, $0xb8;
	[tilespmem:$0xD000] =	vst v63  }
0x2f: {  	v3 =	vld [tilespmem:s1+$0xFFFFFFD0];
	_ =	sdelay $0x4  }
0x30: {  	v57 =	vshrl.u32 v3, $0x3  }
0x31: {  	v4 =	vmul.u32 $0x18, v57  }
0x32: {  	v3 =	vand.u32 $0x7, v3  }
0x33: {  	v3 =	vor.u32 v3, v4  }
0x34: {  	v4 =	vperm.xlane v3, v0;
	_ =	sdelay $0x1  }
0x35: {  	v4 =	vadd.s32 v1, v4;
	_ =	sdelay $0x1  }
0x36: {  	v3 =	vperm.xlane v3, v2;
	_ =	sdelay $0x1  }
0x37: {  	s4 =	rddreg [dreg:$0x6];
	v3 =	vadd.s32 v1, v3  }
0x38: {  	[tilespmem:s4], [sflag:$0x1] =	stream.indirect_vreg.gather [hbm4b:s3+s2], $0x80, v4, vm0, $0xb8;
	[tilespmem:$0xD000] =	vst v63  }
0x39: {  	s6 =	rddreg [dreg:$0x7]  }
0x3a: {  	[tilespmem:s6], [sflag:$0x1] =	stream.indirect_vreg.gather [hbm4b:s5+s2], $0x80, v4, vm1, $0xb8;
	[tilespmem:$0xD000] =	vst v63  }
0x3b: {  	s4 =	rddreg [dreg:$0x8]  }
0x3c: {  	[tilespmem:s4], [sflag:$0x1] =	stream.indirect_vreg.gather [hbm4b:s3+s2], $0x80, v3, vm0, $0xb8;
	[tilespmem:$0xD000] =	vst v63  }
0x3d: {  	s6 =	rddreg [dreg:$0x9]  }
0x3e: {  	[tilespmem:s6], [sflag:$0x1] =	stream.indirect_vreg.gather [hbm4b:s5+s2], $0x80, v3, vm1, $0xb8;
	[tilespmem:$0xD000] =	vst v63  }
0x3f: {  	v3 =	vld [tilespmem:s1+$0xFFFFFFE0];
	_ =	sdelay $0x4  }
0x40: {  	v58 =	vshrl.u32 v3, $0x3  }
0x41: {  	v4 =	vmul.u32 $0x18, v58  }
0x42: {  	v3 =	vand.u32 $0x7, v3  }
0x43: {  	v3 =	vor.u32 v3, v4  }
0x44: {  	v4 =	vperm.xlane v3, v0;
	_ =	sdelay $0x1  }
0x45: {  	v4 =	vadd.s32 v1, v4;
	_ =	sdelay $0x1  }
0x46: {  	v3 =	vperm.xlane v3, v2;
	_ =	sdelay $0x1  }
0x47: {  	s4 =	rddreg [dreg:$0xa];
	v3 =	vadd.s32 v1, v3  }
0x48: {  	[tilespmem:s4], [sflag:$0x1] =	stream.indirect_vreg.gather [hbm4b:s3+s2], $0x80, v4, vm0, $0xb8;
	[tilespmem:$0xD000] =	vst v63  }
0x49: {  	s6 =	rddreg [dreg:$0xb]  }
0x4a: {  	[tilespmem:s6], [sflag:$0x1] =	stream.indirect_vreg.gather [hbm4b:s5+s2], $0x80, v4, vm1, $0xb8;
	[tilespmem:$0xD000] =	vst v63  }
0x4b: {  	s4 =	rddreg [dreg:$0xc]  }
0x4c: {  	[tilespmem:s4], [sflag:$0x1] =	stream.indirect_vreg.gather [hbm4b:s3+s2], $0x80, v3, vm0, $0xb8;
	[tilespmem:$0xD000] =	vst v63  }
0x4d: {  	s6 =	rddreg [dreg:$0xd]  }
0x4e: {  	[tilespmem:s6], [sflag:$0x1] =	stream.indirect_vreg.gather [hbm4b:s5+s2], $0x80, v3, vm1, $0xb8;
	[tilespmem:$0xD000] =	vst v63  }
0x4f: {  	v3 =	vld [tilespmem:s1+$0xFFFFFFF0];
	_ =	sdelay $0x4  }
0x50: {  	v59 =	vshrl.u32 v3, $0x3  }
0x51: {  	v4 =	vmul.u32 $0x18, v59  }
0x52: {  	v3 =	vand.u32 $0x7, v3  }
0x53: {  	v3 =	vor.u32 v3, v4  }
0x54: {  	v4 =	vperm.xlane v3, v0;
	_ =	sdelay $0x1  }
0x55: {  	v4 =	vadd.s32 v1, v4;
	_ =	sdelay $0x1  }
0x56: {  	v3 =	vperm.xlane v3, v2;
	_ =	sdelay $0x1  }
0x57: {  	v3 =	vadd.s32 v1, v3  }
0x58: {  	[tilespmem:s9], [sflag:$0x1] =	stream.indirect_vreg.gather [hbm4b:s3+s2], $0x80, v4, vm0, $0xb8;
	[tilespmem:$0xD000] =	vst v63  }
0x59: {  	_ = 	snop  }
0x5a: {  	[tilespmem:s10], [sflag:$0x1] =	stream.indirect_vreg.gather [hbm4b:s5+s2], $0x80, v4, vm1, $0xb8;
	[tilespmem:$0xD000] =	vst v63  }
0x5b: {  	_ = 	snop  }
0x5c: {  	[tilespmem:s11], [sflag:$0x1] =	stream.indirect_vreg.gather [hbm4b:s3+s2], $0x80, v3, vm0, $0xb8;
	[tilespmem:$0xD000] =	vst v63  }
0x5d: {  	_ = 	snop  }
0x5e: {  	[tilespmem:s12], [sflag:$0x1] =	stream.indirect_vreg.gather [hbm4b:s5+s2], $0x80, v3, vm1, $0xb8;
	[tilespmem:$0xD000] =	vst v63  }
0x5f: {  	v3 =	vld [tilespmem:s1+$0x0];
	_ =	sdelay $0x4  }
0x60: {  	v60 =	vshrl.u32 v3, $0x3  }
0x61: {  	v4 =	vmul.u32 $0x18, v60  }
0x62: {  	v3 =	vand.u32 $0x7, v3  }
0x63: {  	v3 =	vor.u32 v3, v4  }
0x64: {  	v4 =	vperm.xlane v3, v0;
	_ =	sdelay $0x1  }
0x65: {  	v4 =	vadd.s32 v1, v4;
	_ =	sdelay $0x1  }
0x66: {  	v3 =	vperm.xlane v3, v2;
	_ =	sdelay $0x1  }
0x67: {  	v3 =	vadd.s32 v1, v3  }
0x68: {  	[tilespmem:s13], [sflag:$0x1] =	stream.indirect_vreg.gather [hbm4b:s3+s2], $0x80, v4, vm0, $0xb8;
	[tilespmem:$0xD000] =	vst v63  }
0x69: {  	_ = 	snop  }
0x6a: {  	[tilespmem:s14], [sflag:$0x1] =	stream.indirect_vreg.gather [hbm4b:s5+s2], $0x80, v4, vm1, $0xb8;
	[tilespmem:$0xD000] =	vst v63  }
0x6b: {  	_ = 	snop  }
0x6c: {  	[tilespmem:s15], [sflag:$0x1] =	stream.indirect_vreg.gather [hbm4b:s3+s2], $0x80, v3, vm0, $0xb8;
	[tilespmem:$0xD000] =	vst v63  }
0x6d: {  	_ = 	snop  }
0x6e: {  	[tilespmem:s16], [sflag:$0x1] =	stream.indirect_vreg.gather [hbm4b:s5+s2], $0x80, v3, vm1, $0xb8;
	[tilespmem:$0xD000] =	vst v63  }
0x6f: {  	v3 =	vld [tilespmem:s1+$0x10];
	_ =	sdelay $0x4  }
0x70: {  	v61 =	vshrl.u32 v3, $0x3  }
0x71: {  	v4 =	vmul.u32 $0x18, v61  }
0x72: {  	v3 =	vand.u32 $0x7, v3  }
0x73: {  	v3 =	vor.u32 v3, v4  }
0x74: {  	v4 =	vperm.xlane v3, v0;
	_ =	sdelay $0x1  }
0x75: {  	v4 =	vadd.s32 v1, v4;
	_ =	sdelay $0x1  }
0x76: {  	v3 =	vperm.xlane v3, v2;
	_ =	sdelay $0x1  }
0x77: {  	v3 =	vadd.s32 v1, v3  }
0x78: {  	[tilespmem:s17], [sflag:$0x1] =	stream.indirect_vreg.gather [hbm4b:s3+s2], $0x80, v4, vm0, $0xb8;
	[tilespmem:$0xD000] =	vst v63  }
0x79: {  	_ = 	snop  }
0x7a: {  	[tilespmem:s18], [sflag:$0x1] =	stream.indirect_vreg.gather [hbm4b:s5+s2], $0x80, v4, vm1, $0xb8;
	[tilespmem:$0xD000] =	vst v63  }
0x7b: {  	_ = 	snop  }
0x7c: {  	[tilespmem:s19], [sflag:$0x1] =	stream.indirect_vreg.gather [hbm4b:s3+s2], $0x80, v3, vm0, $0xb8;
	[tilespmem:$0xD000] =	vst v63  }
0x7d: {  	_ = 	snop  }
0x7e: {  	[tilespmem:s20], [sflag:$0x1] =	stream.indirect_vreg.gather [hbm4b:s5+s2], $0x80, v3, vm1, $0xb8;
	[tilespmem:$0xD000] =	vst v63  }
0x7f: {  	v3 =	vld [tilespmem:s1+$0x20];
	_ =	sdelay $0x4  }
0x80: {  	v62 =	vshrl.u32 v3, $0x3  }
0x81: {  	v4 =	vmul.u32 $0x18, v62  }
0x82: {  	v3 =	vand.u32 $0x7, v3  }
0x83: {  	v3 =	vor.u32 v3, v4  }
0x84: {  	v4 =	vperm.xlane v3, v0;
	_ =	sdelay $0x1  }
0x85: {  	v4 =	vadd.s32 v1, v4;
	_ =	sdelay $0x1  }
0x86: {  	v3 =	vperm.xlane v3, v2;
	_ =	sdelay $0x1  }
0x87: {  	v3 =	vadd.s32 v1, v3  }
0x88: {  	[tilespmem:s21], [sflag:$0x1] =	stream.indirect_vreg.gather [hbm4b:s3+s2], $0x80, v4, vm0, $0xb8;
	[tilespmem:$0xD000] =	vst v63  }
0x89: {  	_ = 	snop  }
0x8a: {  	[tilespmem:s22], [sflag:$0x1] =	stream.indirect_vreg.gather [hbm4b:s5+s2], $0x80, v4, vm1, $0xb8;
	[tilespmem:$0xD000] =	vst v63  }
0x8b: {  	_ = 	snop  }
0x8c: {  	[tilespmem:s23], [sflag:$0x1] =	stream.indirect_vreg.gather [hbm4b:s3+s2], $0x80, v3, vm0, $0xb8;
	[tilespmem:$0xD000] =	vst v63  }
0x8d: {  	_ = 	snop  }
0x8e: {  	[tilespmem:s24], [sflag:$0x1] =	stream.indirect_vreg.gather [hbm4b:s5+s2], $0x80, v3, vm1, $0xb8;
	[tilespmem:$0xD000] =	vst v63  }
0x8f: {  	v3 =	vld [tilespmem:s1+$0x30];
	_ =	sdelay $0x4  }
0x90: {  	v63 =	vshrl.u32 v3, $0x3  }
0x91: {  	v4 =	vmul.u32 $0x18, v63  }
0x92: {  	v3 =	vand.u32 $0x7, v3  }
0x93: {  	v3 =	vor.u32 v3, v4  }
0x94: {  	v4 =	vperm.xlane v3, v0;
	_ =	sdelay $0x1  }
0x95: {  	v4 =	vadd.s32 v1, v4;
	_ =	sdelay $0x1  }
0x96: {  	v3 =	vperm.xlane v3, v2;
	_ =	sdelay $0x1  }
0x97: {  	v3 =	vadd.s32 v1, v3  }
0x98: {  	[tilespmem:s25], [sflag:$0x1] =	stream.indirect_vreg.gather [hbm4b:s3+s2], $0x80, v4, vm0, $0xb8;
	[tilespmem:$0xD000] =	vst v63  }
0x99: {  	_ = 	snop  }
0x9a: {  	[tilespmem:s26], [sflag:$0x1] =	stream.indirect_vreg.gather [hbm4b:s5+s2], $0x80, v4, vm1, $0xb8;
	[tilespmem:$0xD000] =	vst v63  }
0x9b: {  	_ = 	snop  }
0x9c: {  	[tilespmem:s28], [sflag:$0x1] =	stream.indirect_vreg.gather [hbm4b:s3+s2], $0x80, v3, vm0, $0xb8;
	[tilespmem:$0xD000] =	vst v63  }
0x9d: {  	_ = 	snop  }
0x9e: {  	[tilespmem:s29], [sflag:$0x1] =	stream.indirect_vreg.gather [hbm4b:s5+s2], $0x80, v3, vm1, $0xb8;
	[tilespmem:$0xD000] =	vst v63  }
0x9f: {  	_ =	swait.ge [sflag:s30], $0xC000  }
0xa0: {  	p0 =	sne.s32 s0, $0x24000;
	s6 =	rddreg [dreg:$0x2];
	[sflag:s30] =	ssyncset.done $0x0  }
.Ltmp0:
0xa1: {  	[sflag:s30] =	ssyncadd.s32 $0xFFFF4000;
	s4 =	sadd.s32 s0, s6;
	(pc) =	sbr.rel @p0 .LBB2_2-.Ltmp0, $4  }
0xa2: {  	[hbm4b:s4+s2] =	stream.linear.scatter [tilespmem:s8], [sflag:$0x2], $0xC000, $0x38;
	[tilespmem:$0xD000] =	vst v63  }
0xa3: {  	_ =	swait.ge [sflag:s7], $0xC000  }
0xa4: {  	[sflag:s7] =	ssyncset.done $0x0  }
0xa5: {  	s1 =	sadd.s32 $0x80, s1;
	s0 =	sadd.s32 $0x1800, s0;
	[sflag:s7] =	ssyncadd.s32 $0xFFFF4000  }
0xa6: {  	s31 =	sadd.s32 $0x1, s31;
	s0 =	rddreg [dreg:$0xf]  }
0xa7: {  	p0 =	sne.s32 s31, s0  }
.Ltmp1:
0xa8: {  	_ = 	snop;
	(pc) =	sbr.rel @p0 .LBB2_1-.Ltmp1, $1  }
0xa9: {  	_ =	sdelay $0x3  }
0xaa: {  	_ =	sfence.sel $0x180000  }
0xab: {  	[bflag:$0x0] =	sbarrier.arrive $0xFFFF  }
0xac: {  	_ =	strace $0x90000047  }
0xad: {  	s0 =	stileid.u32;
	[bflag:$0x2] =	sbarrier.arrive $0xFFFF  }
0xae: {  	p0 =	sne.s32 s0, $0x0;
	s0 =	rddreg [dreg:$0x1]  }
0xaf: {  	s0 =	sadd.s32 @!p0 $0x100000, s0  }
0xb0: {  	[sflag:s0] =	ssyncadd.tile.s32 @!p0 $0x1;
	_ =	shalt  }
.Lfunc_end2:
_tile_overlayer_lowered:
.L_overlay_start_2:
0xb1: {  	(tag) =	ssettag $0x2  }
0xb2: {  	s0 =	rddreg [dreg:$0x0];
	s2 =	stileid.u32  }
0xb3: {  	s1 =	rddreg [dreg:$0x1];
	p0 =	sne.s32 s2, $0x0  }
0xb4: {  	s3 =	rddreg [dreg:$0x2];
	[bflag:$0x3] =	sbarrier.arrive $0xFFFF;
	s2 =	simm.s32 @!p0 $0x1C02  }
0xb5: {  	[timem:s3], [sflag:s2] =	dma.local @!p0 [hbm:s0], s1  }
0xb6: {  	s0 =	simm.s32 @!p0 $0x2  }
0xb7: {  	_ =	swait.ge @!p0 [sflag:s0], s1  }
0xb8: {  	s1 =	ssub.s32 @!p0 $0x0, s1;
	[sflag:s0] =	ssyncset.done @!p0 $0x0  }
0xb9: {  	[sflag:s0] =	ssyncadd.s32 @!p0 s1  }
0xba: {  	[bflag:$0x3] =	sbarrier.arrive $0xFFFF  }
0xbb: {  	_ =	shalt  }

// kernel: sparse-core-data-format-call.cloned.1.call-start
scs
called_computation_lowered:
.L_overlay_start_0:
0x0: {  	s2 =	sld [smem:$0x3FD9]  }
0x1: {  	s3 =	sld [smem:$0x3FFE];
	_ =	sdelay $0x1  }
0x2: {  	s1 =	srdreg.scid  }
0x3: {  	s0 =	sand.u32 $0x1, s1  }
0x4: {  	s18 =	sshll.u32 s0, $0xA;
	s2 =	sadd.s32 s3, s2  }
0x5: {  	s2 =	sadd.s32 s2, s18  }
0x6: {  	[smem:$0x3FC6] =	sst s2  }
0x7: {  	_ = 	snop  }
0x8: {  	s2 =	sld [smem:$0x3FD0];
	(tm) =	ssettm $0x1  }
0x9: {  	s19 =	sld [smem:$0x3FFB];
	_ =	sdelay $0x3  }
0xa: {  	_ =	strace s19  }
0xb: {  	s3 =	sld [smem:$0x3FFC];
	_ =	sdelay $0x3  }
0xc: {  	_ =	strace s3  }
0xd: {  	s3 =	sld [smem:$0x3FFD];
	_ =	sdelay $0x3  }
0xe: {  	_ =	strace s3  }
0xf: {  	_ =	strace $0x8FFFFFFF  }
0x10: {  	s20 =	sld [smem:$0x3FDB];
	_ =	sdelay $0x1  }
0x11: {  	s4 =	simm.s32 $_scs_section_size  }
0x12: {  	s5 =	simm.s32 $_size__tile_overlayer_lowered;
	s6 =	simm.s32 $_tile_overlayer_lowered  }
0x13: {  	s23 =	simm.s32 $0x1BFF;
	s22 =	sshll.u32 s6, $0x1;
	s3 =	sadd.s32 s4, s20  }
0x14: {  	s7 =	simm.s32 $0x0;
	s21 =	sshll.u32 s5, $0x1;
	s5 =	sadd.s32 s22, s3  }
0x15: {  	[timem:s7], [sflag:s23] =	dma.local [hbm:s5], s21  }
0x16: {  	_ =	swait.ge [sflag:s23], s21  }
0x17: {  	s4 =	ssub.s32 $0x0, s21;
	[sflag:s23] =	ssyncset.done $0x0  }
0x18: {  	[sflag:s23] =	ssyncadd.s32 s4;
	_ =	sdelay $0x1  }
0x19: {  	s24 =	simm.s32 $0x1B8B  }
0x1a: {  	_ =	swait.ge [sflag:s24], $0x1  }
0x1b: {  	[sflag:s24] =	ssyncset.done $0x0  }
0x1c: {  	s26 =	simm.s32 $0x1B8E;
	s25 =	sld [smem:$0x3FFE];
	[sflag:s24] =	ssyncadd.s32 $0xFFFFFFFF  }
0x1d: {  	s27 =	simm.s32 $execute0_lowered;
	[smem:$0x3FD2] =	sst s26  }
0x1e: {  	s5 =	sshll.u32 s27, $0x1;
	_ =	strace $0x8000004C;
	[dreg:$0x1] =	wrdreg $0xFFFFFFFF  }
0x1f: {  	s28 =	simm.s32 $_size_execute0_lowered;
	s3 =	sadd.s32 s3, s5;
	[dreg:$0x0] =	wrdreg $0x0  }
0x20: {  	s5 =	sshll.u32 s28, $0x1;
	[dreg:$0x2] =	wrdreg s3  }
0x21: {  	[dreg:$0x3] =	wrdreg s5  }
0x22: {  	[dreg:$0x4] =	wrdreg $0xC0  }
0x23: {  	_ =	task [dreg:s7], $0x5FFFF  }
0x24: {  	[dreg:$0x1] =	wrdreg $0xFFFFFFFF  }
0x25: {  	[dreg:$0x0] =	wrdreg $0x60  }
0x26: {  	[dreg:$0x2] =	wrdreg s25  }
0x27: {  	[dreg:$0x3] =	wrdreg s2  }
0x28: {  	[dreg:$0x4] =	wrdreg $0x9  }
0x29: {  	_ =	task.clear_ibuf [dreg:s7], $0x5FFFF;
	_ =	strace $0x9000004C  }
0x2a: {  	s29 =	simm.s32 $0x9;
	_ =	strace $0x8000004E  }
0x2b: {  	_ =	swait.ge [sflag:s29], $0x1  }
0x2c: {  	[sflag:s29] =	ssyncadd.s32 $0xFFFFFFFF  }
0x2d: {  	_ =	strace $0x9000004E  }
0x2e: {  	_ =	sfence  }
0x2f: {  	s30 =	sld [smem:$0x0];
	_ =	sdelay $0x2  }
0x30: {  	s31 =	sshll.u32 s1, $0xD;
	s1 =	sshrl.u32 s1, $0x2  }
0x31: {  	s3 =	sand.u32 $0x4000, s31;
	s1 =	sadd.s32 s1, s30  }
0x32: {  	s0 =	sor.u32 s3, s0;
	s1 =	sshll.u32 s1, $0x11  }
0x33: {  	s0 =	sor.u32 s1, s0  }
0x34: {  	s0 =	sadd.s32 $0x8F2B, s0  }
0x35: {  	[sflag:s0] =	ssyncadd.remote.s32 $0x1  }
0x36: {  	_ =	sfence.sel $0xFFFF  }
0x37: {  	[dreg:$0x0] =	wrdreg $0xFFFFFFFF;
	(pc) =	sbr.abs _section_cstart, $3  }
0x38: {  	[dreg:$0x1] =	wrdreg $0xFFFFFFFF  }
0x39: {  	_ =	task.clear_ibuf [dreg:s7], $0x2FFFF;
	_ =	strace $0x9FFFFFFF  }
0x3a: {  	(tm) =	ssettm $0x7FFFFFFF  }
0x3b: {  	_ =	shalt  }
tec
execute0_lowered:
.L_overlay_start_1:
0x0: {  	(tag) =	ssettag $0x1  }
0x1: {  	s0 =	srdreg.scid;
	s6 =	rddreg [dreg:$0x0]  }
0x2: {  	s3 =	rddreg [dreg:$0x1];
	s1 =	sshll.u32 s0, $0x4  }
0x3: {  	s5 =	simm.s32 $0x1;
	s0 =	stileid.u32;
	s1 =	sand.u32 $0x10, s1  }
0x4: {  	s31 =	simm.s32 $0x2;
	s16 =	simm.s32 $0x0;
	s1 =	sor.u32 s0, s1  }
0x5: {  	s8 =	simm.s32 $0x8000;
	s18 =	simm.s32 $0x0;
	s2 =	sshll.u32 s1, $0x7  }
0x6: {  	s17 =	simm.s32 $0x0;
	s9 =	simm.s32 $0x0;
	s4 =	ssub.s32 $0x1000, s2  }
0x7: {  	s10 =	simm.s32 $0x0;
	s11 =	simm.s32 $0x0;
	s30 =	sand.u32 $0xF80, s4  }
0x8: {  	s12 =	simm.s32 $0x0;
	s13 =	simm.s32 $0x0;
	p0 =	sne.s32 s30, $0x0  }
.Ltmp0:
0x9: {  	s7 =	sshrl.u32 s4, $0xC;
	s5 =	simm.s32 @!p0 $0x0;
	(pc) =	sbr.rel .LBB1_1-.Ltmp0, $4  }
0xa: {  	s15 =	simm.s32 $0x0;
	s1 =	rddreg [dreg:$0x2];
	s5 =	sadd.s32 s5, s7  }
0xb: {  	_ =	strace $0x8000004D;
	s4 =	simm.s32 $0x1;
	s5 =	smul.u32 $0x96, s5  }
0xc: {  	s6 =	sadd.s32 $0x94CC00, s6;
	s14 =	smov.u32 s2;
	[sflag:s4] =	ssyncpa.u1 $0x0  }
0xd: {  	[sflag:s31] =	ssyncpa.u1 $0x0;
	p0 =	por $0x0, $0x0;
	s7 =	sor.u32 $0x1, s5  }
.LBB1_4:
0xe: {  	s23 =	sshra.s32 s23, $0x2;
	s30 =	sshll.u32 s9, $0xC  }
0xf: {  	p1 =	sgt.s32 s10, $0x31;
	s24 =	smov.u32 s10;
	s25 =	sshra.s32 s10, $0x1F  }
0x10: {  	s26 =	sshll.u32 s11, $0x3;
	s28 =	smov.u32 s11;
	s29 =	sshra.s32 s11, $0x1F  }
0x11: {  	s22 =	sadd.s32 s23, s22;
	s24 =	simm.s32 @!p1 $0x31;
	s25 =	sand.u32 s25, s10  }
0x12: {  	s23 =	sand.u32 $0xFFFF8000, s30;
	s27 =	sand.u32 $0xFFFFFC00, s26;
	p1 =	sgt.s32 s9, $0xB0  }
0x13: {  	s31 =	sand.u32 s29, s11;
	s29 =	sshll.u32 s9, $0x7;
	s30 =	sshra.s32 s9, $0x1F  }
0x14: {  	[tilespmem:s21+$0x2040 ss:$0x81] =	vst.msk $0xffff, v4;
	s24 =	ssub.s32 s24, s25;
	s23 =	sadd.s32 s27, s23;
	s27 =	smov.u32 s9  }
0x15: {  	[tilespmem:s21+$0x2850 ss:$0x81] =	vst.msk $0xffff, v3;
	s29 =	sand.u32 $0x380, s29;
	s25 =	sadd.s32 $0xFFFFFFCF, s24;
	s27 =	simm.s32 @!p1 $0xB0  }
0x16: {  	v5 =	vld [tilespmem:s20+$0xFFFFFFD0];
	[tilespmem:s21+$0x3060 ss:$0x81] =	vst.msk $0xffff, v2;
	p1 =	sgt.s32 s11, $0xF80;
	s23 =	sshrl.u32 s23, $0xC;
	s24 =	ssub.s32 $0x32, s24  }
0x17: {  	v58 =	vld [tilespmem:s20+$0xFFFFFFE0];
	[tilespmem:s21+$0x0 ss:$0x81] =	vst.msk $0xffff, v1;
	s28 =	simm.s32 @!p1 $0xF80;
	p1 =	sgt.s32 s25, $0x0;
	s21 =	smulhi.u32 $0xD79436, s23  }
0x18: {  	v59 =	vld [tilespmem:s20+$0xFFFFFFF0];
	s25 =	ssub.s32 s28, s31;
	s28 =	sand.u32 s30, s9;
	s24 =	simm.s32 @p1 $0x0  }
0x19: {  	v60 =	vld [tilespmem:s20+$0x0];
	s27 =	ssub.s32 s27, s28;
	s31 =	sadd.s32 $0xFFFFF080, s25;
	s25 =	ssub.s32 $0x1000, s25  }
0x1a: {  	v61 =	vld [tilespmem:s20+$0x10];
	[tilespmem:s22+$0x3870 ss:$0x81] =	vst.msk $0xffff, v0;
	s21 =	smul.u32 $0x130, s21;
	s28 =	sand.u32 $0x7, s11;
	p1 =	sgt.s32 s31, $0x7F  }
0x1b: {  	v62 =	vld [tilespmem:s20+$0x20];
	[tilespmem:s22+$0x810 ss:$0x81] =	vst.msk $0xffff, v5;
	s30 =	sadd.s32 $0xFFFFFF50, s27;
	s31 =	sand.u32 $0x78, s11;
	s25 =	simm.s32 @p1 $0x0  }
0x1c: {  	v63 =	vld [tilespmem:s20+$0xFFFFFFC0];
	[tilespmem:s22+$0x1020 ss:$0x81] =	vst.msk $0xffff, v58;
	p1 =	sgt.s32 s30, $0x7F;
	s30 =	sand.u32 $0xC00, s26;
	s24 =	smul.u32 s25, s24  }
0x1d: {  	[tilespmem:s22+$0x1830 ss:$0x81] =	vst.msk $0xffff, v59;
	s26 =	ssub.s32 $0x130, s27;
	s20 =	sor.u32 s31, s30;
	s31 =	smul.u32 $0x26000, s10  }
0x1e: {  	[tilespmem:s22+$0x2040 ss:$0x81] =	vst.msk $0xffff, v60;
	s21 =	ssub.s32 s23, s21;
	s26 =	simm.s32 @p1 $0x0;
	s20 =	sor.u32 s29, s20  }
0x1f: {  	[tilespmem:s22+$0x2850 ss:$0x81] =	vst.msk $0xffff, v61;
	s26 =	smul.u32 s26, s24;
	s20 =	sshrl.u32 s20, $0x3;
	s27 =	sadd.s32 s3, s31  }
0x20: {  	[tilespmem:s22+$0x3060 ss:$0x81] =	vst.msk $0xffff, v62;
	s21 =	sshll.u32 s21, $0x9;
	s29 =	sshll.u32 s28, $0x12;
	s20 =	sadd.s32 s20, s27  }
0x21: {  	[tilespmem:s22+$0x0 ss:$0x81] =	vst.msk $0xffff, v63;
	s31 =	sor.u32 $0x400, s29;
	s30 =	sand.u32 $0x3FFFFFFF, s26;
	s20 =	sadd.s32 s21, s20  }
0x22: {  	[hbm4b:s20+s31] =	stream.strided.scatter [tilespmem:s19], [sflag:$0x2], s30, s8, s31, $0x20;
	[tilespmem:$0x10100] =	vst v63  }
.LBB1_5:
0x23: {  	p1 =	slt.u32 s15, $0x2  }
0x24: {  	p2 =	sgt.s32 @!p1 s18, $0x31  }
0x25: {  	s19 =	smov.u32 s18;
	s20 =	sshra.s32 @!p1 s18, $0x1F;
	p2 =	por !p2, p1  }
0x26: {  	s18 =	sand.u32 @!p1 s20, s18;
	s19 =	simm.s32 @p2 $0x31  }
0x27: {  	p3 =	sgt.s32 @!p1 s16, $0xB0;
	s18 =	ssub.s32 @!p1 s19, s18  }
0x28: {  	p4 =	sgt.s32 @!p1 s17, $0xF80;
	s21 =	sshra.s32 @!p1 s17, $0x1F;
	s19 =	sadd.s32 @!p1 $0xFFFFFFCF, s18  }
0x29: {  	s20 =	smov.u32 s16;
	p2 =	sgt.s32 @!p1 s19, $0x0;
	s19 =	sshra.s32 @!p1 s16, $0x1F  }
0x2a: {  	p4 =	por !p4, p1;
	s16 =	sand.u32 @!p1 s19, s16;
	s19 =	smov.u32 s17  }
0x2b: {  	p3 =	por !p3, p1;
	s17 =	sand.u32 @!p1 s21, s17;
	s19 =	simm.s32 @p4 $0xF80  }
0x2c: {  	s20 =	simm.s32 @p3 $0xB0;
	s18 =	ssub.s32 @!p1 $0x32, s18;
	s17 =	ssub.s32 @!p1 s19, s17  }
0x2d: {  	p2 =	por !p2, p1;
	s16 =	ssub.s32 @!p1 s20, s16;
	s20 =	sadd.s32 @!p1 $0xFFFFF080, s17  }
0x2e: {  	s18 =	simm.s32 @!p2 $0x0;
	p3 =	sgt.s32 @!p1 s20, $0x7F  }
0x2f: {  	s19 =	sadd.s32 @!p1 $0xFFFFFF50, s16;
	s17 =	ssub.s32 @!p1 $0x1000, s17;
	p3 =	por !p3, p1  }
0x30: {  	p2 =	sgt.s32 @!p1 s19, $0x7F;
	s19 =	sadd.s32 $0x80, s12;
	s17 =	simm.s32 @!p3 $0x0  }
0x31: {  	p3 =	sgt.s32 s19, $0x12B;
	s17 =	smul.u32 @!p1 s17, s18;
	s18 =	simm.s32 $0x1  }
0x32: {  	s16 =	ssub.s32 @!p1 $0x130, s16;
	p2 =	por !p2, p1;
	s18 =	simm.s32 @!p3 $0x0  }
0x33: {  	s21 =	smov.u32 s14;
	s16 =	simm.s32 @!p2 $0x0;
	s20 =	sadd.s32 s18, s13  }
0x34: {  	s16 =	smul.u32 @!p1 s16, s17;
	s17 =	sadd.s32 $0x1000, s14;
	p2 =	sgt.s32 s20, $0x31  }
0x35: {  	p0 =	por !p0, !p0;
	s22 =	simm.s32 @!p1 $0x2;
	s21 =	smov.u32 @p2 s17  }
0x36: {  	s19 =	simm.s32 @p3 $0x0;
	s20 =	simm.s32 @p2 $0x0;
	p2 =	sgt.s32 s21, $0xFFF  }
0x37: {  	s18 =	smov.u32 s10;
	s21 =	smov.u32 @p2 s2;
	p2 =	sne.s32 s15, s7  }
.Ltmp1:
0x38: {  	s10 =	smov.u32 s13;
	s16 =	sand.u32 @!p1 $0x3FFFFFFF, s16;
	(pc) =	sbr.rel @!p2 .LBB1_6-.Ltmp1, $4  }
0x39: {  	s17 =	smov.u32 s11;
	s11 =	smov.u32 s14;
	_ =	swait.ge @!p1 [sflag:s22], s16  }
0x3a: {  	s23 =	ssub.s32 @!p1 $0x0, s16;
	s16 =	smov.u32 s9;
	s9 =	smov.u32 s12  }
0x3b: {  	s12 =	smov.u32 s19;
	s13 =	smov.u32 s20;
	[sflag:s22] =	ssyncset.done @!p1 $0x0  }
0x3c: {  	s15 =	sadd.s32 $0x1, s15;
	[sflag:s22] =	ssyncadd.s32 @!p1 s23;
	s14 =	smov.u32 s21  }
.LBB1_1:
0x3d: {  	p1 =	sge.u32 s15, s5  }
0x3e: {  	s19 =	sshrl.u32 @!p1 s13, $0x3  }
0x3f: {  	s20 =	sshll.u32 @!p1 s12, $0x3;
	s19 =	smul.u32 @!p1 $0xC00, s19  }
0x40: {  	s21 =	sshll.u32 @!p1 s13, $0x7;
	s20 =	sand.u32 @!p1 $0xFFFFFC00, s20  }
0x41: {  	s19 =	sadd.s32 @!p1 s19, s20;
	s20 =	sand.u32 @!p1 $0x380, s21  }
0x42: {  	s19 =	sor.u32 @!p1 s20, s19  }
0x43: {  	s20 =	sand.u32 @!p1 $0x7F, s12;
	s21 =	smulhi.u32 @!p1 $0xAAAAAAAB, s19  }
0x44: {  	s19 =	sor.u32 @!p1 s20, s19  }
0x45: {  	s20 =	smulhi.u32 @!p1 $0xAAAAAAAB, s19;
	s21 =	sshrl.u32 @!p1 s21, $0x8  }
0x46: {  	s22 =	smulhi.u32 @!p1 $0x4924925, s21;
	_ =	sdelay $0x1  }
0x47: {  	s20 =	sshrl.u32 @!p1 s20, $0x8;
	s22 =	smul.u32 @!p1 $0x38, s22  }
0x48: {  	s31 =	sadd.s32 $0xFFFFFFFF, s15;
	s20 =	smul.u32 @!p1 $0x180, s20  }
0x49: {  	s23 =	sxor.u32 @!p1 $0xFFFFFFFF, s15;
	s21 =	ssub.s32 @!p1 s21, s22;
	s22 =	smul.u32 @!p1 $0xA80, s14  }
0x4a: {  	s23 =	sshll.u32 @!p1 s23, $0xE;
	s19 =	ssub.s32 @!p1 s19, s20;
	s20 =	smul.u32 @!p1 $0x30, s21  }
0x4b: {  	s21 =	sand.u32 @!p1 $0x4000, s23;
	s23 =	sand.u32 @!p1 $0x7, s19;
	s22 =	sadd.s32 @!p1 s6, s22  }
0x4c: {  	s19 =	sshrl.u32 @!p1 s19, $0x3;
	s20 =	sadd.s32 @!p1 s20, s22;
	s22 =	sshll.u32 @!p1 s23, $0x12  }
0x4d: {  	s19 =	sadd.s32 @!p1 s19, s20;
	s20 =	sor.u32 @!p1 $0x80, s22;
	s22 =	simm.s32 @!p1 $0x5400  }
0x4e: {  	[tilespmem:s21], [sflag:$0x1] =	stream.strided.gather @!p1 [hbm4b:s19+s20], $0x4000, s22, s20, $0x38;
	[tilespmem:$0x10100] =	vst v63  }
0x4f: {  	p1 =	sge.u32 s31, s5  }
.Ltmp2:
0x50: {  	_ = 	snop;
	(pc) =	sbr.rel @p1 .LBB1_5-.Ltmp2, $1  }
0x51: {  	_ =	sdelay $0x3  }
0x52: {  	s19 =	simm.s32 $0x1  }
0x53: {  	_ =	swait.ge [sflag:s4], $0x4000;
	s19 =	simm.s32 @!p0 $0x0  }
0x54: {  	[sflag:s4] =	ssyncset.done $0x0;
	s20 =	sshll.u32 s19, $0xE  }
0x55: {  	[sflag:s4] =	ssyncadd.s32 $0xFFFFC000;
	s20 =	sor.u32 $0x40, s20  }
0x56: {  	s19 =	smul.u32 $0x10200, s19;
	v0 =	vld [tilespmem:s20+$0x30]  }
0x57: {  	v1 =	vld [tilespmem:s20+$0xFFFFFFD0]  }
0x58: {  	s19 =	sshrl.u32 s19, $0x2;
	v5 =	vld [tilespmem:s20+$0xFFFFFFE0]  }
0x59: {  	v6 =	vld [tilespmem:s20+$0xFFFFFFF0];
	s22 =	sor.u32 $0x8000, s19  }
0x5a: {  	s31 =	sand.u32 $0x1, s15;
	v4 =	vld [tilespmem:s20+$0x0];
	s21 =	sadd.s32 $0x0, s22  }
0x5b: {  	v3 =	vld [tilespmem:s20+$0x10];
	s19 =	smul.u32 $0x10200, s31;
	[tilespmem:s21+$0x3870 ss:$0x81] =	vst.msk $0xffff, v0  }
0x5c: {  	v2 =	vld [tilespmem:s20+$0x20];
	[tilespmem:s21+$0x810 ss:$0x81] =	vst.msk $0xffff, v1  }
0x5d: {  	s19 =	sshrl.u32 s19, $0x2;
	v1 =	vld [tilespmem:s20+$0xFFFFFFC0];
	[tilespmem:s21+$0x1020 ss:$0x81] =	vst.msk $0xffff, v5;
	s20 =	sadd.s32 $0x80, s20  }
0x5e: {  	s23 =	simm.s32 $0x4;
	s24 =	simm.s32 $0x8;
	s19 =	sor.u32 $0x8000, s19;
	[tilespmem:s21+$0x1830 ss:$0x81] =	vst.msk $0xffff, v6;
	v0 =	vld [tilespmem:s20+$0x30]  }
.LBB1_3:
0x5f: {  	p1 =	sne.s32 s24, $0x1FC;
	v5 =	vld [tilespmem:s20+$0xFFFFFFD0];
	[tilespmem:s21+$0x2040 ss:$0x81] =	vst.msk $0xffff, v4  }
0x60: {  	v6 =	vld [tilespmem:s20+$0xFFFFFFE0];
	[tilespmem:s21+$0x2850 ss:$0x81] =	vst.msk $0xffff, v3  }
0x61: {  	s25 =	sshra.s32 s23, $0x2;
	s23 =	smov.u32 s24;
	v7 =	vld [tilespmem:s20+$0xFFFFFFF0];
	[tilespmem:s21+$0x3060 ss:$0x81] =	vst.msk $0xffff, v2  }
.Ltmp3:
0x62: {  	v4 =	vld [tilespmem:s20+$0x0];
	[tilespmem:s21+$0x0 ss:$0x81] =	vst.msk $0xffff, v1;
	s21 =	sadd.s32 s25, s22;
	(pc) =	sbr.rel @p1 .LBB1_3-.Ltmp3, $4  }
0x63: {  	v3 =	vld [tilespmem:s20+$0x10];
	[tilespmem:s21+$0x3870 ss:$0x81] =	vst.msk $0xffff, v0  }
0x64: {  	[tilespmem:s21+$0x810 ss:$0x81] =	vst.msk $0xffff, v5;
	v2 =	vld [tilespmem:s20+$0x20]  }
0x65: {  	v1 =	vld [tilespmem:s20+$0xFFFFFFC0];
	[tilespmem:s21+$0x1020 ss:$0x81] =	vst.msk $0xffff, v6;
	s20 =	sadd.s32 $0x80, s20  }
0x66: {  	s24 =	sadd.s32 $0x4, s24;
	v0 =	vld [tilespmem:s20+$0x30];
	[tilespmem:s21+$0x1830 ss:$0x81] =	vst.msk $0xffff, v7  }
.Ltmp4:
0x67: {  	_ = 	snop;
	(pc) =	sbr.rel .LBB1_4-.Ltmp4, $1  }
0x68: {  	_ =	sdelay $0x3  }
.LBB1_6:
0x69: {  	_ =	sfence.sel $0x180000  }
0x6a: {  	s2 =	simm.s32 $0x1;
	[bflag:$0x0] =	sbarrier.arrive $0xFFFF  }
0x6b: {  	s31 =	simm.s32 $0x2;
	[sflag:s2] =	ssyncpa.u1 $0x1  }
0x6c: {  	[sflag:s31] =	ssyncpa.u1 $0x1  }
0x6d: {  	p0 =	sne.s32 s0, $0x0;
	_ =	strace $0x9000004D  }
0x6e: {  	s0 =	sadd.s32 @!p0 $0x100000, s1;
	[bflag:$0x2] =	sbarrier.arrive $0xFFFF  }
0x6f: {  	[sflag:s0] =	ssyncadd.tile.s32 @!p0 $0x1;
	_ =	shalt  }
.Lfunc_end1:
_tile_overlayer_lowered:
.L_overlay_start_2:
0x70: {  	(tag) =	ssettag $0x2  }
0x71: {  	s0 =	rddreg [dreg:$0x0];
	s2 =	stileid.u32  }
0x72: {  	s1 =	rddreg [dreg:$0x1];
	p0 =	sne.s32 s2, $0x0  }
0x73: {  	s3 =	rddreg [dreg:$0x2];
	[bflag:$0x3] =	sbarrier.arrive $0xFFFF;
	s2 =	simm.s32 @!p0 $0x1C01  }
0x74: {  	[timem:s3], [sflag:s2] =	dma.local @!p0 [hbm:s0], s1  }
0x75: {  	s0 =	simm.s32 @!p0 $0x1  }
0x76: {  	_ =	swait.ge @!p0 [sflag:s0], s1  }
0x77: {  	s1 =	ssub.s32 @!p0 $0x0, s1;
	[sflag:s0] =	ssyncset.done @!p0 $0x0  }
0x78: {  	[sflag:s0] =	ssyncadd.s32 @!p0 s1  }
0x79: {  	[bflag:$0x3] =	sbarrier.arrive $0xFFFF  }
0x7a: {  	_ =	shalt  }

</sc_bundles>
